<compile_context>
chip_gen: v7x
topology: tpu7x:2x2x1
jax: 0.10.2.dev20260603
libtpu: 0.0.44.dev20260713+nightly
codegen_flags: <defaults>
</compile_context>

<pallas_src>
import functools

import jax
import jax.numpy as jnp
from jax import lax
from jax.experimental import pallas as pl
from jax.experimental.pallas import tpu as pltpu
from jax.experimental.pallas import tpu_sc as plsc

_T = 2048
_H = 768
_E = 64
_I = 256
_CH = 256
_BT = 64
_EPP = 4
_ALIGN = 16
_TPAD = 3136
_HW = _H // 2
_M16 = -65536


def _unpack_words(v):
    lo = lax.bitcast_convert_type(v << 16, jnp.float32).astype(jnp.bfloat16)
    hi = lax.bitcast_convert_type(v & _M16, jnp.float32).astype(jnp.bfloat16)
    return jnp.concatenate([lo, hi], axis=1)


def _pack_words(d):
    f = d.astype(jnp.float32)
    lo32 = lax.bitcast_convert_type(f[:, :_HW], jnp.int32)
    hi32 = lax.bitcast_convert_type(f[:, _HW:], jnp.int32)
    return lax.shift_right_logical(lo32, 16) | (hi32 & _M16)


def _router_body(sel_ref, rw_ref, x_ref, xw_ref, dest_ref, cnt_ref, poff_ref,
                 oh_scr, cum_scr):
    x = x_ref[...]
    sel = sel_ref[...]
    eidx = lax.broadcasted_iota(jnp.int32, (_T, _E), 1)
    oh_scr[...] = (eidx == sel).astype(jnp.float32)

    r = lax.broadcasted_iota(jnp.int32, (_CH, _CH), 0)
    c = lax.broadcasted_iota(jnp.int32, (_CH, _CH), 1)
    tri = (r >= c).astype(jnp.float32)

    def chunk(i, carry):
        s = pl.multiple_of(i * _CH, _CH)
        blk = oh_scr[pl.ds(s, _CH), :]
        incl = lax.dot_general(tri, blk, (((1,), (0,)), ((), ())),
                               preferred_element_type=jnp.float32) + carry
        cum_scr[pl.ds(s, _CH), :] = incl
        return incl[_CH - 1:_CH, :]

    counts = lax.fori_loop(0, _T // _CH, chunk,
                           jnp.zeros((1, _E), jnp.float32))
    cnt_i = counts.astype(jnp.int32)
    cnt_ref[...] = cnt_i
    aligned = (((cnt_i + (_ALIGN - 1)) // _ALIGN) * _ALIGN).astype(jnp.float32)
    er = lax.broadcasted_iota(jnp.int32, (_E, _E), 0)
    ec = lax.broadcasted_iota(jnp.int32, (_E, _E), 1)
    sltri = (er < ec).astype(jnp.float32)
    poff = lax.dot_general(aligned, sltri, (((1,), (0,)), ((), ())),
                           preferred_element_type=jnp.float32)
    poff_ref[...] = poff.astype(jnp.int32)

    onehot = oh_scr[...]
    cum = cum_scr[...]
    rank = jnp.sum(cum * onehot, axis=1, keepdims=True)
    base = jnp.sum(onehot * poff, axis=1, keepdims=True)
    dest_ref[...] = (base + rank - 1.0).astype(jnp.int32)

    xw = x * rw_ref[...]
    xw_ref[...] = _pack_words(xw)


_router = pl.pallas_call(
    _router_body,
    out_shape=[
        jax.ShapeDtypeStruct((_T, _H // 2), jnp.int32),
        jax.ShapeDtypeStruct((_T, 1), jnp.int32),
        jax.ShapeDtypeStruct((1, _E), jnp.int32),
        jax.ShapeDtypeStruct((1, _E), jnp.int32),
    ],
    scratch_shapes=[
        pltpu.VMEM((_T, _E), jnp.float32),
        pltpu.VMEM((_T, _E), jnp.float32),
    ],
)


def _gmm_body(offs_ref, cnts_ref, xs_ref, wg_ref, wu_ref, wd_ref, out_ref,
              xsb_scr, outb_scr):
    e = pl.program_id(0)

    @pl.when(e == 0)
    def _unpack_all():
        xsb_scr[...] = _unpack_words(xs_ref[...])

    for sub in range(_EPP):
        ee = e * _EPP + sub
        off = pl.multiple_of(offs_ref[ee], _ALIGN)
        cnt = cnts_ref[ee]
        nb = (cnt + (_BT - 1)) // _BT
        wg = wg_ref[sub]
        wu = wu_ref[sub]
        wd = wd_ref[sub]

        def blk(i, carry, off=off, wg=wg, wu=wu, wd=wd):
            s = pl.multiple_of(off + i * _BT, _ALIGN)
            xb = xsb_scr[pl.ds(s, _BT), :]
            g = lax.dot_general(xb, wg, (((1,), (1,)), ((), ())),
                                preferred_element_type=jnp.float32
                                ).astype(jnp.bfloat16)
            u = lax.dot_general(xb, wu, (((1,), (1,)), ((), ())),
                                preferred_element_type=jnp.float32
                                ).astype(jnp.bfloat16)
            sg = jax.nn.sigmoid(g.astype(jnp.float32)).astype(jnp.bfloat16)
            act = u * (g * sg)
            o = lax.dot_general(act, wd, (((1,), (1,)), ((), ())),
                                preferred_element_type=jnp.float32)
            outb_scr[pl.ds(s, _BT), :] = o.astype(jnp.bfloat16)
            return carry

        lax.fori_loop(0, nb, blk, 0)

    @pl.when(e == _E // _EPP - 1)
    def _pack_all():
        out_ref[...] = _pack_words(outb_scr[...])


_gmm = pl.pallas_call(
    _gmm_body,
    grid=(_E // _EPP,),
    in_specs=[
        pl.BlockSpec(memory_space=pltpu.SMEM),
        pl.BlockSpec(memory_space=pltpu.SMEM),
        pl.BlockSpec((_TPAD, _H // 2), lambda e: (0, 0)),
        pl.BlockSpec((_EPP, _I, _H), lambda e: (e, 0, 0)),
        pl.BlockSpec((_EPP, _I, _H), lambda e: (e, 0, 0)),
        pl.BlockSpec((_EPP, _H, _I), lambda e: (e, 0, 0)),
    ],
    out_specs=pl.BlockSpec((_TPAD, _H // 2), lambda e: (0, 0)),
    out_shape=jax.ShapeDtypeStruct((_TPAD, _H // 2), jnp.int32),
    scratch_shapes=[
        pltpu.VMEM((_TPAD, _H), jnp.bfloat16),
        pltpu.VMEM((_TPAD, _H), jnp.bfloat16),
    ],
)


def _unpack_body(i_ref, o_ref):
    o_ref[...] = _unpack_words(i_ref[...])


_unpack = pl.pallas_call(
    _unpack_body,
    out_shape=jax.ShapeDtypeStruct((_T, _H), jnp.bfloat16),
)


def _sc_workers():
    try:
        info = plsc.get_sparse_core_info()
        return info.num_cores, info.num_subcores
    except Exception:
        return 2, 16


@functools.lru_cache(maxsize=None)
def _build_sc_kernels():
    nc, ns = _sc_workers()
    nw = nc * ns
    rows_per = _T // nw
    mesh = plsc.VectorSubcoreMesh(core_axis_name="c", subcore_axis_name="s")
    w = _H // 2
    scratch = [
        pltpu.VMEM((rows_per,), jnp.int32),
        pltpu.VMEM((rows_per, w), jnp.int32),
        pltpu.SemaphoreType.DMA,
    ]

    @functools.partial(
        pl.kernel, mesh=mesh,
        out_type=jax.ShapeDtypeStruct((_TPAD, w), jnp.int32),
        scratch_types=scratch,
    )
    def scatter(rows_hbm, dest_hbm, out_hbm, idx_v, rows_v, sem):
        wid = lax.axis_index("s") * nc + lax.axis_index("c")
        base = wid * rows_per
        pltpu.sync_copy(rows_hbm.at[pl.ds(base, rows_per)], rows_v)
        pltpu.sync_copy(dest_hbm.at[pl.ds(base, rows_per)], idx_v)
        pltpu.async_copy(rows_v, out_hbm.at[idx_v], sem).wait()

    @functools.partial(
        pl.kernel, mesh=mesh,
        out_type=jax.ShapeDtypeStruct((_T, w), jnp.int32),
        scratch_types=scratch,
    )
    def gather(src_hbm, dest_hbm, out_hbm, idx_v, rows_v, sem):
        wid = lax.axis_index("s") * nc + lax.axis_index("c")
        base = wid * rows_per
        pltpu.sync_copy(dest_hbm.at[pl.ds(base, rows_per)], idx_v)
        pltpu.async_copy(src_hbm.at[idx_v], rows_v, sem).wait()
        pltpu.sync_copy(rows_v, out_hbm.at[pl.ds(base, rows_per)])

    return scatter, gather


def kernel(hidden_states, Wg, Wgate, Wup, Wdown):
    B, S, H = hidden_states.shape
    x = hidden_states.reshape(S, H)
    router_logits = x @ Wg.T
    topk_values, selected_experts = jax.lax.top_k(router_logits, 1)
    rows = jnp.arange(S)[:, None]
    routing_scattered = jnp.zeros_like(router_logits).at[
        rows, selected_experts].set(topk_values)
    routing_norm = jax.nn.sigmoid(routing_scattered)
    routing_weights = jnp.take_along_axis(routing_norm, selected_experts,
                                          axis=1)
    xw, dest, cnts, poffs = _router(selected_experts, routing_weights, x)
    dest1d = dest.reshape(S)
    scatter, gather = _build_sc_kernels()
    xs = scatter(xw, dest1d)
    outs = _gmm(poffs.reshape(_E), cnts.reshape(_E), xs, Wgate, Wup, Wdown)
    out = _unpack(gather(outs, dest1d))
    return out.reshape(B, S, H)

# --- scband reference (transcript-rebuilt; emitter-appended) ---
"""Pipeline reference for scband-reference-moe-model-36567351558810 (READ-ONLY COPY).

The authoritative reference and input builder live on the scoring server;
editing this copy changes nothing except your own understanding.
"""

import jax, jax.numpy as jnp
import numpy as np

HID = 768
INTER = 256
NEXP = 64
BATCH = 1
SEQ = 2048


def setup_inputs(seed: int = 0) -> dict:
    key = jax.random.key(seed)
    k0, k1, k2, k3, k4 = jax.random.split(key, 5)
    hidden_states = jax.random.normal(k0, (BATCH, SEQ, HID), dtype=jnp.float32).astype(jnp.bfloat16)
    Wg = (jax.random.normal(k1, (NEXP, HID), dtype=jnp.float32) * 0.02).astype(jnp.bfloat16)
    Wgate = (jax.random.normal(k2, (NEXP, INTER, HID), dtype=jnp.float32) * 0.02).astype(jnp.bfloat16)
    Wup = (jax.random.normal(k3, (NEXP, INTER, HID), dtype=jnp.float32) * 0.02).astype(jnp.bfloat16)
    Wdown = (jax.random.normal(k4, (NEXP, HID, INTER), dtype=jnp.float32) * 0.02).astype(jnp.bfloat16)
    return {"hidden_states": hidden_states, "Wg": Wg, "Wgate": Wgate, "Wup": Wup, "Wdown": Wdown}


def reference(hidden_states, Wg, Wgate, Wup, Wdown):
    B, S, H = hidden_states.shape
    x = hidden_states.reshape(-1, H)
    T = x.shape[0]
    E = Wg.shape[0]
    # Router
    router_logits = x @ Wg.T
    topk_values, selected_experts = jax.lax.top_k(router_logits, 1)
    rows = jnp.arange(T)[:, None]
    # scatter topk values back into a [T, E] tensor of zeros, sigmoid, gather back
    routing_scattered = jnp.zeros_like(router_logits).at[rows, selected_experts].set(topk_values)
    routing_norm = jax.nn.sigmoid(routing_scattered)
    routing_weights = jnp.take_along_axis(routing_norm, selected_experts, axis=1)  # [T, 1]
    sel = selected_experts[:, 0]
    # INPUT-SIDE routing: scale token input by its routing weight before expert MLP
    scaled = x * routing_weights
    out = jnp.zeros_like(x)
    for e in range(E):
        mask = (sel == e)
        g = scaled @ Wgate[e].T
        u = scaled @ Wup[e].T
        act = u * jax.nn.silu(g)
        o = act @ Wdown[e].T
        out = out + jnp.where(mask[:, None], o, jnp.zeros((), dtype=o.dtype))
    return out.reshape(B, S, H)

if __name__ == "__main__":
    import jax
    _d = setup_inputs()
    print(jax.jit(kernel)(*tuple(_d.values())))

</pallas_src>

<mosaic_0001>
#map = affine_map<(d0, d1) -> (0, 0)>
#map1 = affine_map<(d0, d1) -> (0)>
module attributes {stable_mosaic.version = 14 : i64} {
  func.func @gather(%arg0: i32, %arg1: i32, %arg2: memref<3136x384xi32, #tpu.memory_space<hbm>>, %arg3: memref<2048xi32, #tpu.memory_space<hbm>>, %arg4: memref<2048x384xi32, #tpu.memory_space<hbm>>, %arg5: memref<64xi32, #tpu.memory_space<vmem>>, %arg6: memref<64x384xi32, #tpu.memory_space<vmem>>, %arg7: memref<!tpu.dma_semaphore, #tpu.memory_space<semaphore_mem>>) attributes {dimension_semantics = [#tpu.dimension_semantics<core_parallel>, #tpu.dimension_semantics<subcore_parallel>], iteration_bounds = array<i64: 2, 16>, scalar_prefetch = 0 : i64, scratch_operands = 3 : i64, tpu.core_type = #tpu.core_type<sc_vector_subcore>, window_params = [{transform_indices = #map}, {transform_indices = #map1}, {transform_indices = #map}]} {
    %mul3A = arith.constant 2 : i32
    %mul3A_0 = arith.muli %arg1, %mul3A : i32
    %add3A = arith.addi %mul3A_0, %arg0 : i32
    %mul3A_1 = arith.constant 64 : i32
    %mul3A_2 = arith.muli %add3A, %mul3A_1 : i32
    "tpu.region"() ({
      %run_scoped3A = tpu.sem_alloc : memref<!tpu.dma_semaphore, #tpu.memory_space<semaphore_mem>>
      %dma_start3A_7 = tpu.memref_slice %arg3[%mul3A_2] : memref<2048xi32, #tpu.memory_space<hbm>> -> memref<64xi32, #tpu.memory_space<hbm>>
      %dma_start3A_8 = tpu.memref_slice %arg3[%mul3A_2] : memref<2048xi32, #tpu.memory_space<hbm>> -> memref<64xi32, #tpu.memory_space<hbm>>
      tpu.enqueue_dma source(%dma_start3A_8 : memref<64xi32, #tpu.memory_space<hbm>>) target(%arg5 : memref<64xi32, #tpu.memory_space<vmem>>) target_semaphore(%run_scoped3A : memref<!tpu.dma_semaphore, #tpu.memory_space<semaphore_mem>>)
      %dma_wait3A_9 = tpu.memref_slice %arg3[%mul3A_2] : memref<2048xi32, #tpu.memory_space<hbm>> -> memref<64xi32, #tpu.memory_space<hbm>>
      %dma_wait3A_10 = tpu.memref_slice %arg3[%mul3A_2] : memref<2048xi32, #tpu.memory_space<hbm>> -> memref<64xi32, #tpu.memory_space<hbm>>
      tpu.wait_dma2 semaphore(%run_scoped3A : memref<!tpu.dma_semaphore, #tpu.memory_space<semaphore_mem>>) src(%dma_wait3A_10 : memref<64xi32, #tpu.memory_space<hbm>>) dst(%arg5 : memref<64xi32, #tpu.memory_space<vmem>>)
      tpu.yield
    }) : () -> ()
    %dma_start3A = arith.constant 0 : i32
    %dma_start3A_3 = arith.constant 0 : i32
    %dma_start3A_4 = tpu.memref_slice %arg2[%dma_start3A, %dma_start3A_3] : memref<3136x384xi32, #tpu.memory_space<hbm>> -> memref<3136x384xi32, #tpu.memory_space<hbm>>
    tpu.enqueue_indirect_dma source(%dma_start3A_4 : memref<3136x384xi32, #tpu.memory_space<hbm>>) target(%arg6 : memref<64x384xi32, #tpu.memory_space<vmem>>) offsets(%arg5 : memref<64xi32, #tpu.memory_space<vmem>>) semaphore(%arg7 : memref<!tpu.dma_semaphore, #tpu.memory_space<semaphore_mem>>)
    %dma_wait3A = arith.constant 0 : i32
    %dma_wait3A_5 = arith.constant 0 : i32
    %dma_wait3A_6 = tpu.memref_slice %arg2[%dma_wait3A, %dma_wait3A_5] : memref<3136x384xi32, #tpu.memory_space<hbm>> -> memref<3136x384xi32, #tpu.memory_space<hbm>>
    tpu.wait_indirect_dma semaphore(%arg7 : memref<!tpu.dma_semaphore, #tpu.memory_space<semaphore_mem>>) src(%dma_wait3A_6 : memref<3136x384xi32, #tpu.memory_space<hbm>>) dst(%arg6 : memref<64x384xi32, #tpu.memory_space<vmem>>)
    "tpu.region"() ({
      %run_scoped3A = tpu.sem_alloc : memref<!tpu.dma_semaphore, #tpu.memory_space<semaphore_mem>>
      %dma_start3A_7 = arith.constant 0 : i32
      %dma_start3A_8 = tpu.memref_slice %arg4[%mul3A_2, %dma_start3A_7] : memref<2048x384xi32, #tpu.memory_space<hbm>> -> memref<64x384xi32, #tpu.memory_space<hbm>>
      %dma_start3A_9 = arith.constant 0 : i32
      %dma_start3A_10 = tpu.memref_slice %arg4[%mul3A_2, %dma_start3A_9] : memref<2048x384xi32, #tpu.memory_space<hbm>> -> memref<64x384xi32, #tpu.memory_space<hbm>>
      tpu.enqueue_dma source(%arg6 : memref<64x384xi32, #tpu.memory_space<vmem>>) target(%dma_start3A_10 : memref<64x384xi32, #tpu.memory_space<hbm>>) target_semaphore(%run_scoped3A : memref<!tpu.dma_semaphore, #tpu.memory_space<semaphore_mem>>)
      %dma_wait3A_11 = arith.constant 0 : i32
      %dma_wait3A_12 = tpu.memref_slice %arg4[%mul3A_2, %dma_wait3A_11] : memref<2048x384xi32, #tpu.memory_space<hbm>> -> memref<64x384xi32, #tpu.memory_space<hbm>>
      %dma_wait3A_13 = arith.constant 0 : i32
      %dma_wait3A_14 = tpu.memref_slice %arg4[%mul3A_2, %dma_wait3A_13] : memref<2048x384xi32, #tpu.memory_space<hbm>> -> memref<64x384xi32, #tpu.memory_space<hbm>>
      tpu.wait_dma2 semaphore(%run_scoped3A : memref<!tpu.dma_semaphore, #tpu.memory_space<semaphore_mem>>) src(%arg6 : memref<64x384xi32, #tpu.memory_space<vmem>>) dst(%dma_wait3A_14 : memref<64x384xi32, #tpu.memory_space<hbm>>)
      tpu.yield
    }) : () -> ()
    return
  }
}

#map = affine_map<(d0, d1) -> (0, 0)>
#map1 = affine_map<(d0, d1) -> (0)>
module attributes {stable_mosaic.version = 14 : i64} {
  func.func @scatter(%arg0: i32, %arg1: i32, %arg2: memref<2048x384xi32, #tpu.memory_space<hbm>>, %arg3: memref<2048xi32, #tpu.memory_space<hbm>>, %arg4: memref<3136x384xi32, #tpu.memory_space<hbm>>, %arg5: memref<64xi32, #tpu.memory_space<vmem>>, %arg6: memref<64x384xi32, #tpu.memory_space<vmem>>, %arg7: memref<!tpu.dma_semaphore, #tpu.memory_space<semaphore_mem>>) attributes {dimension_semantics = [#tpu.dimension_semantics<core_parallel>, #tpu.dimension_semantics<subcore_parallel>], iteration_bounds = array<i64: 2, 16>, scalar_prefetch = 0 : i64, scratch_operands = 3 : i64, tpu.core_type = #tpu.core_type<sc_vector_subcore>, window_params = [{transform_indices = #map}, {transform_indices = #map1}, {transform_indices = #map}]} {
    %mul3A = arith.constant 2 : i32
    %mul3A_0 = arith.muli %arg1, %mul3A : i32
    %add3A = arith.addi %mul3A_0, %arg0 : i32
    %mul3A_1 = arith.constant 64 : i32
    %mul3A_2 = arith.muli %add3A, %mul3A_1 : i32
    "tpu.region"() ({
      %run_scoped3A = tpu.sem_alloc : memref<!tpu.dma_semaphore, #tpu.memory_space<semaphore_mem>>
      %dma_start3A_7 = arith.constant 0 : i32
      %dma_start3A_8 = tpu.memref_slice %arg2[%mul3A_2, %dma_start3A_7] : memref<2048x384xi32, #tpu.memory_space<hbm>> -> memref<64x384xi32, #tpu.memory_space<hbm>>
      %dma_start3A_9 = arith.constant 0 : i32
      %dma_start3A_10 = tpu.memref_slice %arg2[%mul3A_2, %dma_start3A_9] : memref<2048x384xi32, #tpu.memory_space<hbm>> -> memref<64x384xi32, #tpu.memory_space<hbm>>
      tpu.enqueue_dma source(%dma_start3A_10 : memref<64x384xi32, #tpu.memory_space<hbm>>) target(%arg6 : memref<64x384xi32, #tpu.memory_space<vmem>>) target_semaphore(%run_scoped3A : memref<!tpu.dma_semaphore, #tpu.memory_space<semaphore_mem>>)
      %dma_wait3A_11 = arith.constant 0 : i32
      %dma_wait3A_12 = tpu.memref_slice %arg2[%mul3A_2, %dma_wait3A_11] : memref<2048x384xi32, #tpu.memory_space<hbm>> -> memref<64x384xi32, #tpu.memory_space<hbm>>
      %dma_wait3A_13 = arith.constant 0 : i32
      %dma_wait3A_14 = tpu.memref_slice %arg2[%mul3A_2, %dma_wait3A_13] : memref<2048x384xi32, #tpu.memory_space<hbm>> -> memref<64x384xi32, #tpu.memory_space<hbm>>
      tpu.wait_dma2 semaphore(%run_scoped3A : memref<!tpu.dma_semaphore, #tpu.memory_space<semaphore_mem>>) src(%dma_wait3A_14 : memref<64x384xi32, #tpu.memory_space<hbm>>) dst(%arg6 : memref<64x384xi32, #tpu.memory_space<vmem>>)
      tpu.yield
    }) : () -> ()
    "tpu.region"() ({
      %run_scoped3A = tpu.sem_alloc : memref<!tpu.dma_semaphore, #tpu.memory_space<semaphore_mem>>
      %dma_start3A_7 = tpu.memref_slice %arg3[%mul3A_2] : memref<2048xi32, #tpu.memory_space<hbm>> -> memref<64xi32, #tpu.memory_space<hbm>>
      %dma_start3A_8 = tpu.memref_slice %arg3[%mul3A_2] : memref<2048xi32, #tpu.memory_space<hbm>> -> memref<64xi32, #tpu.memory_space<hbm>>
      tpu.enqueue_dma source(%dma_start3A_8 : memref<64xi32, #tpu.memory_space<hbm>>) target(%arg5 : memref<64xi32, #tpu.memory_space<vmem>>) target_semaphore(%run_scoped3A : memref<!tpu.dma_semaphore, #tpu.memory_space<semaphore_mem>>)
      %dma_wait3A_9 = tpu.memref_slice %arg3[%mul3A_2] : memref<2048xi32, #tpu.memory_space<hbm>> -> memref<64xi32, #tpu.memory_space<hbm>>
      %dma_wait3A_10 = tpu.memref_slice %arg3[%mul3A_2] : memref<2048xi32, #tpu.memory_space<hbm>> -> memref<64xi32, #tpu.memory_space<hbm>>
      tpu.wait_dma2 semaphore(%run_scoped3A : memref<!tpu.dma_semaphore, #tpu.memory_space<semaphore_mem>>) src(%dma_wait3A_10 : memref<64xi32, #tpu.memory_space<hbm>>) dst(%arg5 : memref<64xi32, #tpu.memory_space<vmem>>)
      tpu.yield
    }) : () -> ()
    %dma_start3A = arith.constant 0 : i32
    %dma_start3A_3 = arith.constant 0 : i32
    %dma_start3A_4 = tpu.memref_slice %arg4[%dma_start3A, %dma_start3A_3] : memref<3136x384xi32, #tpu.memory_space<hbm>> -> memref<3136x384xi32, #tpu.memory_space<hbm>>
    tpu.enqueue_indirect_dma source(%arg6 : memref<64x384xi32, #tpu.memory_space<vmem>>) target(%dma_start3A_4 : memref<3136x384xi32, #tpu.memory_space<hbm>>) offsets(%arg5 : memref<64xi32, #tpu.memory_space<vmem>>) semaphore(%arg7 : memref<!tpu.dma_semaphore, #tpu.memory_space<semaphore_mem>>)
    %dma_wait3A = arith.constant 0 : i32
    %dma_wait3A_5 = arith.constant 0 : i32
    %dma_wait3A_6 = tpu.memref_slice %arg4[%dma_wait3A, %dma_wait3A_5] : memref<3136x384xi32, #tpu.memory_space<hbm>> -> memref<3136x384xi32, #tpu.memory_space<hbm>>
    tpu.wait_indirect_dma semaphore(%arg7 : memref<!tpu.dma_semaphore, #tpu.memory_space<semaphore_mem>>) src(%arg6 : memref<64x384xi32, #tpu.memory_space<vmem>>) dst(%dma_wait3A_6 : memref<3136x384xi32, #tpu.memory_space<hbm>>)
    return
  }
}

module attributes {stable_mosaic.version = 14 : i64} {
  func.func @_router_body(%arg0: memref<2048x1xi32, #tpu.memory_space<vmem>>, %arg1: memref<2048x1xbf16, #tpu.memory_space<vmem>>, %arg2: memref<2048x768xbf16, #tpu.memory_space<vmem>>, %arg3: memref<2048x384xi32, #tpu.memory_space<vmem>>, %arg4: memref<2048x1xi32, #tpu.memory_space<vmem>>, %arg5: memref<1x64xi32, #tpu.memory_space<vmem>>, %arg6: memref<1x64xi32, #tpu.memory_space<vmem>>, %arg7: memref<2048x64xf32, #tpu.memory_space<vmem>>, %arg8: memref<2048x64xf32, #tpu.memory_space<vmem>>) attributes {dimension_semantics = [], scalar_prefetch = 0 : i64, scratch_operands = 2 : i64, tpu.core_type = #tpu.core_type<tc>} {
    %get3A = arith.constant 0 : index
    %get3A_0 = arith.constant 0 : index
    %get3A_1 = vector.load %arg2[%get3A, %get3A_0] : memref<2048x768xbf16, #tpu.memory_space<vmem>>, vector<2048x768xbf16>
    %get3A_2 = arith.constant 0 : index
    %get3A_3 = arith.constant 0 : index
    %get3A_4 = vector.load %arg0[%get3A_2, %get3A_3] : memref<2048x1xi32, #tpu.memory_space<vmem>>, vector<2048x1xi32>
    %iota3A = tpu.iota {dimensions = array<i32: 1>} : vector<2048x64xi32>
    %eq3A = vector.broadcast %get3A_4 : vector<2048x1xi32> to vector<2048x64xi32>
    %eq3A_5 = arith.cmpi eq, %iota3A, %eq3A : vector<2048x64xi32>
    %convert_element_type3A = arith.extui %eq3A_5 : vector<2048x64xi1> to vector<2048x64xi32>
    %convert_element_type3A_6 = arith.sitofp %convert_element_type3A : vector<2048x64xi32> to vector<2048x64xf32>
    %swap3A = arith.constant 0 : index
    %swap3A_7 = arith.constant 0 : index
    %swap3A_8 = vector.load %arg7[%swap3A, %swap3A_7] : memref<2048x64xf32, #tpu.memory_space<vmem>>, vector<2048x64xf32>
    tpu.vector_store %arg7[%swap3A, %swap3A_7], %convert_element_type3A_6 {strides = array<i32>} : memref<2048x64xf32, #tpu.memory_space<vmem>>, vector<2048x64xf32>,
    %iota3A_9 = tpu.iota {dimensions = array<i32: 0>} : vector<256x256xi32>
    %iota3A_10 = tpu.iota {dimensions = array<i32: 1>} : vector<256x256xi32>
    %ge3A = arith.cmpi sge, %iota3A_9, %iota3A_10 : vector<256x256xi32>
    %convert_element_type3A_11 = arith.extui %ge3A : vector<256x256xi1> to vector<256x256xi32>
    %convert_element_type3A_12 = arith.sitofp %convert_element_type3A_11 : vector<256x256xi32> to vector<256x256xf32>
    %broadcast_in_dim3A = arith.constant 0.000000e+00 : f32
    %broadcast_in_dim3A_13 = vector.broadcast %broadcast_in_dim3A : f32 to vector<1x64xf32>
    %scan3A = arith.constant 0 : i32
    %scan3A_14 = arith.constant 8 : i32
    %scan3A_15 = arith.addi %scan3A, %scan3A_14 : i32
    %scan3A_16 = arith.constant 1 : i32
    %scan3A_17 = scf.for %scan3A_98 = %scan3A to %scan3A_15 step %scan3A_16 iter_args(%scan3A_99 = %broadcast_in_dim3A_13) -> (vector<1x64xf32>)  : i32 {
      %mul3A_100 = arith.constant 256 : i32
      %mul3A_101 = arith.muli %scan3A_98, %mul3A_100 : i32
      %multiple_of3A = tpu.assume_multiple %mul3A_101, 256 : i32
      %get3A_102 = arith.index_cast %multiple_of3A : i32 to index
      %get3A_103 = arith.constant 0 : index
      %get3A_104 = vector.load %arg7[%get3A_102, %get3A_103] : memref<2048x64xf32, #tpu.memory_space<vmem>>, vector<256x64xf32>
      %dot_general3A_105 = arith.constant dense<0.000000e+00> : vector<256x64xf32>
      %dot_general3A_106 = tpu.matmul %convert_element_type3A_12, %get3A_104, %dot_general3A_105 {dimension_numbers = #tpu.dot_dimension_numbers<[1], [0], [0], [1], [0, 0, 1, 1], [], []>, transpose_lhs_hint = false} : vector<256x256xf32>, vector<256x64xf32>, vector<256x64xf32> -> vector<256x64xf32>
      %add3A_107 = vector.broadcast %scan3A_99 : vector<1x64xf32> to vector<256x64xf32>
      %add3A_108 = arith.addf %dot_general3A_106, %add3A_107 : vector<256x64xf32>
      %swap3A_109 = arith.index_cast %multiple_of3A : i32 to index
      %swap3A_110 = arith.constant 0 : index
      %swap3A_111 = vector.load %arg8[%swap3A_109, %swap3A_110] : memref<2048x64xf32, #tpu.memory_space<vmem>>, vector<256x64xf32>
      tpu.vector_store %arg8[%swap3A_109, %swap3A_110], %add3A_108 {strides = array<i32>} : memref<2048x64xf32, #tpu.memory_space<vmem>>, vector<256x64xf32>,
      %slice3A_112 = vector.extract_strided_slice %add3A_108 {offsets = [255, 0], sizes = [1, 64], strides = [1, 1]} : vector<256x64xf32> to vector<1x64xf32>
      scf.yield %slice3A_112 : vector<1x64xf32>
    }
    %scan3A_18 = arith.constant 8 : i32
    %convert_element_type3A_19 = arith.fptosi %scan3A_17 : vector<1x64xf32> to vector<1x64xi32>
    %swap3A_20 = arith.constant 0 : index
    %swap3A_21 = arith.constant 0 : index
    %swap3A_22 = vector.load %arg5[%swap3A_20, %swap3A_21] : memref<1x64xi32, #tpu.memory_space<vmem>>, vector<1x64xi32>
    tpu.vector_store %arg5[%swap3A_20, %swap3A_21], %convert_element_type3A_19 {strides = array<i32>} : memref<1x64xi32, #tpu.memory_space<vmem>>, vector<1x64xi32>,
    %add3A = arith.constant 15 : i32
    %add3A_23 = vector.broadcast %add3A : i32 to vector<1x64xi32>
    %add3A_24 = arith.addi %convert_element_type3A_19, %add3A_23 : vector<1x64xi32>
    %jit3A = arith.constant 16 : i32
    %div3A = vector.broadcast %jit3A : i32 to vector<1x64xi32>
    %div3A_25 = arith.divsi %add3A_24, %div3A : vector<1x64xi32>
    %sign3A = arith.constant 0 : i32
    %sign3A_26 = vector.broadcast %sign3A : i32 to vector<1x64xi32>
    %sign3A_27 = arith.cmpi sgt, %add3A_24, %sign3A_26 : vector<1x64xi32>
    %sign3A_28 = arith.extui %sign3A_27 : vector<1x64xi1> to vector<1x64xi32>
    %sign3A_29 = arith.constant 0 : i32
    %sign3A_30 = vector.broadcast %sign3A_29 : i32 to vector<1x64xi32>
    %sign3A_31 = arith.cmpi slt, %add3A_24, %sign3A_30 : vector<1x64xi32>
    %sign3A_32 = arith.extui %sign3A_31 : vector<1x64xi1> to vector<1x64xi32>
    %sign3A_33 = arith.subi %sign3A_28, %sign3A_32 : vector<1x64xi32>
    %sign3A_34 = arith.constant 0 : i32
    %sign3A_35 = arith.cmpi sgt, %jit3A, %sign3A_34 : i32
    %sign3A_36 = arith.extui %sign3A_35 : i1 to i32
    %sign3A_37 = arith.constant 0 : i32
    %sign3A_38 = arith.cmpi slt, %jit3A, %sign3A_37 : i32
    %sign3A_39 = arith.extui %sign3A_38 : i1 to i32
    %sign3A_40 = arith.subi %sign3A_36, %sign3A_39 : i32
    %ne3A = vector.broadcast %sign3A_40 : i32 to vector<1x64xi32>
    %ne3A_41 = arith.cmpi ne, %sign3A_33, %ne3A : vector<1x64xi32>
    %rem3A = vector.broadcast %jit3A : i32 to vector<1x64xi32>
    %rem3A_42 = arith.remsi %add3A_24, %rem3A : vector<1x64xi32>
    %ne3A_43 = arith.constant 0 : i32
    %ne3A_44 = vector.broadcast %ne3A_43 : i32 to vector<1x64xi32>
    %ne3A_45 = arith.cmpi ne, %rem3A_42, %ne3A_44 : vector<1x64xi32>
    %and3A = arith.andi %ne3A_41, %ne3A_45 : vector<1x64xi1>
    %sub3A = arith.constant 1 : i32
    %sub3A_46 = vector.broadcast %sub3A : i32 to vector<1x64xi32>
    %sub3A_47 = arith.subi %div3A_25, %sub3A_46 : vector<1x64xi32>
    %select_n3A = arith.select %and3A, %sub3A_47, %div3A_25 : vector<1x64xi1>, vector<1x64xi32>
    %mul3A = arith.constant 16 : i32
    %mul3A_48 = vector.broadcast %mul3A : i32 to vector<1x64xi32>
    %mul3A_49 = arith.muli %select_n3A, %mul3A_48 : vector<1x64xi32>
    %convert_element_type3A_50 = arith.sitofp %mul3A_49 : vector<1x64xi32> to vector<1x64xf32>
    %iota3A_51 = tpu.iota {dimensions = array<i32: 0>} : vector<64x64xi32>
    %iota3A_52 = tpu.iota {dimensions = array<i32: 1>} : vector<64x64xi32>
    %lt3A = arith.cmpi slt, %iota3A_51, %iota3A_52 : vector<64x64xi32>
    %convert_element_type3A_53 = arith.extui %lt3A : vector<64x64xi1> to vector<64x64xi32>
    %convert_element_type3A_54 = arith.sitofp %convert_element_type3A_53 : vector<64x64xi32> to vector<64x64xf32>
    %dot_general3A = arith.constant dense<0.000000e+00> : vector<1x64xf32>
    %dot_general3A_55 = tpu.matmul %convert_element_type3A_50, %convert_element_type3A_54, %dot_general3A {dimension_numbers = #tpu.dot_dimension_numbers<[1], [0], [0], [1], [0, 0, 1, 1], [], []>, transpose_lhs_hint = false} : vector<1x64xf32>, vector<64x64xf32>, vector<1x64xf32> -> vector<1x64xf32>
    %convert_element_type3A_56 = arith.fptosi %dot_general3A_55 : vector<1x64xf32> to vector<1x64xi32>
    %swap3A_57 = arith.constant 0 : index
    %swap3A_58 = arith.constant 0 : index
    %swap3A_59 = vector.load %arg6[%swap3A_57, %swap3A_58] : memref<1x64xi32, #tpu.memory_space<vmem>>, vector<1x64xi32>
    tpu.vector_store %arg6[%swap3A_57, %swap3A_58], %convert_element_type3A_56 {strides = array<i32>} : memref<1x64xi32, #tpu.memory_space<vmem>>, vector<1x64xi32>,
    %get3A_60 = arith.constant 0 : index
    %get3A_61 = arith.constant 0 : index
    %get3A_62 = vector.load %arg7[%get3A_60, %get3A_61] : memref<2048x64xf32, #tpu.memory_space<vmem>>, vector<2048x64xf32>
    %get3A_63 = arith.constant 0 : index
    %get3A_64 = arith.constant 0 : index
    %get3A_65 = vector.load %arg8[%get3A_63, %get3A_64] : memref<2048x64xf32, #tpu.memory_space<vmem>>, vector<2048x64xf32>
    %mul3A_66 = arith.mulf %get3A_65, %get3A_62 : vector<2048x64xf32>
    %reduce_sum3A = arith.constant dense<0.000000e+00> : vector<2048xf32>
    %reduce_sum3A_67 = vector.multi_reduction <add>, %mul3A_66, %reduce_sum3A [1] : vector<2048x64xf32> to vector<2048xf32>
    %broadcast_in_dim3A_68 = vector.shape_cast %reduce_sum3A_67 : vector<2048xf32> to vector<2048x1xf32>
    %mul3A_69 = vector.broadcast %dot_general3A_55 : vector<1x64xf32> to vector<2048x64xf32>
    %mul3A_70 = arith.mulf %get3A_62, %mul3A_69 : vector<2048x64xf32>
    %reduce_sum3A_71 = arith.constant dense<0.000000e+00> : vector<2048xf32>
    %reduce_sum3A_72 = vector.multi_reduction <add>, %mul3A_70, %reduce_sum3A_71 [1] : vector<2048x64xf32> to vector<2048xf32>
    %broadcast_in_dim3A_73 = vector.shape_cast %reduce_sum3A_72 : vector<2048xf32> to vector<2048x1xf32>
    %add3A_74 = arith.addf %broadcast_in_dim3A_73, %broadcast_in_dim3A_68 : vector<2048x1xf32>
    %sub3A_75 = arith.constant 1.000000e+00 : f32
    %sub3A_76 = vector.broadcast %sub3A_75 : f32 to vector<2048x1xf32>
    %sub3A_77 = arith.subf %add3A_74, %sub3A_76 : vector<2048x1xf32>
    %convert_element_type3A_78 = arith.fptosi %sub3A_77 : vector<2048x1xf32> to vector<2048x1xi32>
    %swap3A_79 = arith.constant 0 : index
    %swap3A_80 = arith.constant 0 : index
    %swap3A_81 = vector.load %arg4[%swap3A_79, %swap3A_80] : memref<2048x1xi32, #tpu.memory_space<vmem>>, vector<2048x1xi32>
    tpu.vector_store %arg4[%swap3A_79, %swap3A_80], %convert_element_type3A_78 {strides = array<i32>} : memref<2048x1xi32, #tpu.memory_space<vmem>>, vector<2048x1xi32>,
    %get3A_82 = arith.constant 0 : index
    %get3A_83 = arith.constant 0 : index
    %get3A_84 = vector.load %arg1[%get3A_82, %get3A_83] : memref<2048x1xbf16, #tpu.memory_space<vmem>>, vector<2048x1xbf16>
    %mul3A_85 = vector.broadcast %get3A_84 : vector<2048x1xbf16> to vector<2048x768xbf16>
    %mul3A_86 = arith.mulf %get3A_1, %mul3A_85 : vector<2048x768xbf16>
    %convert_element_type3A_87 = arith.extf %mul3A_86 : vector<2048x768xbf16> to vector<2048x768xf32>
    %slice3A = vector.extract_strided_slice %convert_element_type3A_87 {offsets = [0, 0], sizes = [2048, 384], strides = [1, 1]} : vector<2048x768xf32> to vector<2048x384xf32>
    %bitcast_convert_type3A = tpu.bitcast %slice3A : vector<2048x384xf32> -> vector<2048x384xi32>
    %slice3A_88 = vector.extract_strided_slice %convert_element_type3A_87 {offsets = [0, 384], sizes = [2048, 384], strides = [1, 1]} : vector<2048x768xf32> to vector<2048x384xf32>
    %bitcast_convert_type3A_89 = tpu.bitcast %slice3A_88 : vector<2048x384xf32> -> vector<2048x384xi32>
    %shift_right_logical3A = arith.constant 16 : i32
    %shift_right_logical3A_90 = vector.broadcast %shift_right_logical3A : i32 to vector<2048x384xi32>
    %shift_right_logical3A_91 = arith.shrui %bitcast_convert_type3A, %shift_right_logical3A_90 : vector<2048x384xi32>
    %and3A_92 = arith.constant -65536 : i32
    %and3A_93 = vector.broadcast %and3A_92 : i32 to vector<2048x384xi32>
    %and3A_94 = arith.andi %bitcast_convert_type3A_89, %and3A_93 : vector<2048x384xi32>
    %or3A = arith.ori %shift_right_logical3A_91, %and3A_94 : vector<2048x384xi32>
    %swap3A_95 = arith.constant 0 : index
    %swap3A_96 = arith.constant 0 : index
    %swap3A_97 = vector.load %arg3[%swap3A_95, %swap3A_96] : memref<2048x384xi32, #tpu.memory_space<vmem>>, vector<2048x384xi32>
    tpu.vector_store %arg3[%swap3A_95, %swap3A_96], %or3A {strides = array<i32>} : memref<2048x384xi32, #tpu.memory_space<vmem>>, vector<2048x384xi32>,
    return
  }
}

module attributes {stable_mosaic.version = 14 : i64} {
  func.func @_gmm_body(%arg0: i32, %arg1: memref<64xi32, #tpu.memory_space<smem>>, %arg2: memref<64xi32, #tpu.memory_space<smem>>, %arg3: memref<3136x384xi32, #tpu.memory_space<vmem>>, %arg4: memref<4x256x768xbf16, #tpu.memory_space<vmem>>, %arg5: memref<4x256x768xbf16, #tpu.memory_space<vmem>>, %arg6: memref<4x768x256xbf16, #tpu.memory_space<vmem>>, %arg7: memref<3136x384xi32, #tpu.memory_space<vmem>>, %arg8: memref<3136x768xbf16, #tpu.memory_space<vmem>>, %arg9: memref<3136x768xbf16, #tpu.memory_space<vmem>>) attributes {dimension_semantics = [#tpu.dimension_semantics<arbitrary>], iteration_bounds = array<i64: 16>, scalar_prefetch = 0 : i64, scratch_operands = 2 : i64, tpu.core_type = #tpu.core_type<tc>, window_params = [{transform_indices = @transform_0, window_bounds = array<i64: 64>}, {transform_indices = @transform_1, window_bounds = array<i64: 64>}, {pipeline_mode = #tpu.pipeline_mode<synchronous>, transform_indices = @transform_2, window_bounds = array<i64: 3136, 384>}, {transform_indices = @transform_3, window_bounds = array<i64: 4, 256, 768>}, {transform_indices = @transform_4, window_bounds = array<i64: 4, 256, 768>}, {transform_indices = @transform_5, window_bounds = array<i64: 4, 768, 256>}, {pipeline_mode = #tpu.pipeline_mode<synchronous>, transform_indices = @transform_6, window_bounds = array<i64: 3136, 384>}]} {
    %eq3A = arith.constant 0 : i32
    %eq3A_0 = arith.cmpi eq, %arg0, %eq3A : i32
    %convert_element_type3A = arith.extui %eq3A_0 : i1 to i32
    %cond3A = arith.constant 0 : i32
    %cond3A_1 = arith.cmpi ne, %convert_element_type3A, %cond3A : i32
    scf.if %cond3A_1 {
      %get3A_234 = arith.constant 0 : index
      %get3A_235 = arith.constant 0 : index
      %get3A_236 = vector.load %arg3[%get3A_234, %get3A_235] : memref<3136x384xi32, #tpu.memory_space<vmem>>, vector<3136x384xi32>
      %shift_left3A = arith.constant 16 : i32
      %shift_left3A_237 = vector.broadcast %shift_left3A : i32 to vector<3136x384xi32>
      %shift_left3A_238 = arith.shli %get3A_236, %shift_left3A_237 : vector<3136x384xi32>
      %bitcast_convert_type3A = tpu.bitcast %shift_left3A_238 : vector<3136x384xi32> -> vector<3136x384xf32>
      %convert_element_type3A_239 = arith.truncf %bitcast_convert_type3A : vector<3136x384xf32> to vector<3136x384xbf16>
      %and3A_240 = arith.constant -65536 : i32
      %and3A_241 = vector.broadcast %and3A_240 : i32 to vector<3136x384xi32>
      %and3A_242 = arith.andi %get3A_236, %and3A_241 : vector<3136x384xi32>
      %bitcast_convert_type3A_243 = tpu.bitcast %and3A_242 : vector<3136x384xi32> -> vector<3136x384xf32>
      %convert_element_type3A_244 = arith.truncf %bitcast_convert_type3A_243 : vector<3136x384xf32> to vector<3136x384xbf16>
      %concatenate3A = tpu.concatenate %convert_element_type3A_239, %convert_element_type3A_244 in 1 : vector<3136x384xbf16>, vector<3136x384xbf16> -> vector<3136x768xbf16>
      %swap3A = arith.constant 0 : index
      %swap3A_245 = arith.constant 0 : index
      %swap3A_246 = vector.load %arg8[%swap3A, %swap3A_245] : memref<3136x768xbf16, #tpu.memory_space<vmem>>, vector<3136x768xbf16>
      tpu.vector_store %arg8[%swap3A, %swap3A_245], %concatenate3A {strides = array<i32>} : memref<3136x768xbf16, #tpu.memory_space<vmem>>, vector<3136x768xbf16>,
    } else {
    }
    %mul3A = arith.constant 4 : i32
    %mul3A_2 = arith.muli %arg0, %mul3A : i32
    %add3A = arith.constant 0 : i32
    %add3A_3 = arith.addi %mul3A_2, %add3A : i32
    %get3A = arith.index_cast %add3A_3 : i32 to index
    %get3A_4 = memref.load %arg1[%get3A] : memref<64xi32, #tpu.memory_space<smem>>
    %multiple_of3A = tpu.assume_multiple %get3A_4, 16 : i32
    %get3A_5 = arith.index_cast %add3A_3 : i32 to index
    %get3A_6 = memref.load %arg2[%get3A_5] : memref<64xi32, #tpu.memory_space<smem>>
    %add3A_7 = arith.constant 63 : i32
    %add3A_8 = arith.addi %get3A_6, %add3A_7 : i32
    %jit3A = arith.constant 64 : i32
    %div3A = arith.divsi %add3A_8, %jit3A : i32
    %sign3A = arith.constant 0 : i32
    %sign3A_9 = arith.cmpi sgt, %add3A_8, %sign3A : i32
    %sign3A_10 = arith.extui %sign3A_9 : i1 to i32
    %sign3A_11 = arith.constant 0 : i32
    %sign3A_12 = arith.cmpi slt, %add3A_8, %sign3A_11 : i32
    %sign3A_13 = arith.extui %sign3A_12 : i1 to i32
    %sign3A_14 = arith.subi %sign3A_10, %sign3A_13 : i32
    %sign3A_15 = arith.constant 0 : i32
    %sign3A_16 = arith.cmpi sgt, %jit3A, %sign3A_15 : i32
    %sign3A_17 = arith.extui %sign3A_16 : i1 to i32
    %sign3A_18 = arith.constant 0 : i32
    %sign3A_19 = arith.cmpi slt, %jit3A, %sign3A_18 : i32
    %sign3A_20 = arith.extui %sign3A_19 : i1 to i32
    %sign3A_21 = arith.subi %sign3A_17, %sign3A_20 : i32
    %ne3A = arith.cmpi ne, %sign3A_14, %sign3A_21 : i32
    %rem3A = arith.remsi %add3A_8, %jit3A : i32
    %ne3A_22 = arith.constant 0 : i32
    %ne3A_23 = arith.cmpi ne, %rem3A, %ne3A_22 : i32
    %and3A = arith.andi %ne3A, %ne3A_23 : i1
    %sub3A = arith.constant 1 : i32
    %sub3A_24 = arith.subi %div3A, %sub3A : i32
    %select_n3A = arith.select %and3A, %sub3A_24, %div3A : i32
    %get3A_25 = arith.constant 0 : index
    %get3A_26 = arith.constant 0 : index
    %get3A_27 = arith.constant 0 : index
    %get3A_28 = vector.load %arg4[%get3A_25, %get3A_26, %get3A_27] : memref<4x256x768xbf16, #tpu.memory_space<vmem>>, vector<1x256x768xbf16>
    %get3A_29 = vector.shape_cast %get3A_28 : vector<1x256x768xbf16> to vector<256x768xbf16>
    %get3A_30 = arith.constant 0 : index
    %get3A_31 = arith.constant 0 : index
    %get3A_32 = arith.constant 0 : index
    %get3A_33 = vector.load %arg5[%get3A_30, %get3A_31, %get3A_32] : memref<4x256x768xbf16, #tpu.memory_space<vmem>>, vector<1x256x768xbf16>
    %get3A_34 = vector.shape_cast %get3A_33 : vector<1x256x768xbf16> to vector<256x768xbf16>
    %get3A_35 = arith.constant 0 : index
    %get3A_36 = arith.constant 0 : index
    %get3A_37 = arith.constant 0 : index
    %get3A_38 = vector.load %arg6[%get3A_35, %get3A_36, %get3A_37] : memref<4x768x256xbf16, #tpu.memory_space<vmem>>, vector<1x768x256xbf16>
    %get3A_39 = vector.shape_cast %get3A_38 : vector<1x768x256xbf16> to vector<768x256xbf16>
    %while3A = arith.constant 0 : i32
    %while3A_40 = arith.constant 0 : i32
    %while3A_41 = arith.subi %select_n3A, %while3A_40 : i32
    %while3A_42 = arith.addi %while3A_40, %while3A_41 : i32
    %while3A_43 = arith.constant 1 : i32
    %while3A_44 = arith.divsi %while3A_41, %while3A_43 : i32
    %while3A_45 = arith.muli %while3A_44, %while3A_43 : i32
    %while3A_46 = arith.addi %while3A_40, %while3A_45 : i32
    %while3A_47 = arith.constant 1 : i32
    scf.for %while3A_234 = %while3A_40 to %while3A_46 step %while3A_47  : i32 {
      %mul3A_235 = arith.constant 64 : i32
      %mul3A_236 = arith.muli %while3A_234, %mul3A_235 : i32
      %add3A_237 = arith.addi %multiple_of3A, %mul3A_236 : i32
      %multiple_of3A_238 = tpu.assume_multiple %add3A_237, 16 : i32
      %get3A_239 = arith.index_cast %multiple_of3A_238 : i32 to index
      %get3A_240 = arith.constant 0 : index
      %get3A_241 = vector.load %arg8[%get3A_239, %get3A_240] : memref<3136x768xbf16, #tpu.memory_space<vmem>>, vector<64x768xbf16>
      %dot_general3A = arith.constant dense<0.000000e+00> : vector<64x256xf32>
      %dot_general3A_242 = tpu.matmul %get3A_241, %get3A_29, %dot_general3A {dimension_numbers = #tpu.dot_dimension_numbers<[1], [1], [0], [0], [0, 0, 1, 0], [], []>, transpose_lhs_hint = false} : vector<64x768xbf16>, vector<256x768xbf16>, vector<64x256xf32> -> vector<64x256xf32>
      %convert_element_type3A_243 = arith.truncf %dot_general3A_242 : vector<64x256xf32> to vector<64x256xbf16>
      %dot_general3A_244 = arith.constant dense<0.000000e+00> : vector<64x256xf32>
      %dot_general3A_245 = tpu.matmul %get3A_241, %get3A_34, %dot_general3A_244 {dimension_numbers = #tpu.dot_dimension_numbers<[1], [1], [0], [0], [0, 0, 1, 0], [], []>, transpose_lhs_hint = false} : vector<64x768xbf16>, vector<256x768xbf16>, vector<64x256xf32> -> vector<64x256xf32>
      %convert_element_type3A_246 = arith.truncf %dot_general3A_245 : vector<64x256xf32> to vector<64x256xbf16>
      %convert_element_type3A_247 = arith.extf %convert_element_type3A_243 : vector<64x256xbf16> to vector<64x256xf32>
      %logistic3A = arith.negf %convert_element_type3A_247 : vector<64x256xf32>
      %logistic3A_248 = math.exp %logistic3A : vector<64x256xf32>
      %logistic3A_249 = arith.constant 1.000000e+00 : f32
      %logistic3A_250 = vector.broadcast %logistic3A_249 : f32 to vector<64x256xf32>
      %logistic3A_251 = arith.addf %logistic3A_250, %logistic3A_248 : vector<64x256xf32>
      %logistic3A_252 = arith.divf %logistic3A_250, %logistic3A_251 : vector<64x256xf32>
      %convert_element_type3A_253 = arith.truncf %logistic3A_252 : vector<64x256xf32> to vector<64x256xbf16>
      %mul3A_254 = arith.mulf %convert_element_type3A_243, %convert_element_type3A_253 : vector<64x256xbf16>
      %mul3A_255 = arith.mulf %convert_element_type3A_246, %mul3A_254 : vector<64x256xbf16>
      %dot_general3A_256 = arith.constant dense<0.000000e+00> : vector<64x768xf32>
      %dot_general3A_257 = tpu.matmul %mul3A_255, %get3A_39, %dot_general3A_256 {dimension_numbers = #tpu.dot_dimension_numbers<[1], [1], [0], [0], [0, 0, 1, 0], [], []>, transpose_lhs_hint = false} : vector<64x256xbf16>, vector<768x256xbf16>, vector<64x768xf32> -> vector<64x768xf32>
      %convert_element_type3A_258 = arith.truncf %dot_general3A_257 : vector<64x768xf32> to vector<64x768xbf16>
      %swap3A = arith.index_cast %multiple_of3A_238 : i32 to index
      %swap3A_259 = arith.constant 0 : index
      %swap3A_260 = vector.load %arg9[%swap3A, %swap3A_259] : memref<3136x768xbf16, #tpu.memory_space<vmem>>, vector<64x768xbf16>
      tpu.vector_store %arg9[%swap3A, %swap3A_259], %convert_element_type3A_258 {strides = array<i32>} : memref<3136x768xbf16, #tpu.memory_space<vmem>>, vector<64x768xbf16>,
    }
    %while3A_48 = arith.constant 1 : i32
    scf.for %while3A_234 = %while3A_46 to %while3A_42 step %while3A_48  : i32 {
      %mul3A_235 = arith.constant 64 : i32
      %mul3A_236 = arith.muli %while3A_234, %mul3A_235 : i32
      %add3A_237 = arith.addi %multiple_of3A, %mul3A_236 : i32
      %multiple_of3A_238 = tpu.assume_multiple %add3A_237, 16 : i32
      %get3A_239 = arith.index_cast %multiple_of3A_238 : i32 to index
      %get3A_240 = arith.constant 0 : index
      %get3A_241 = vector.load %arg8[%get3A_239, %get3A_240] : memref<3136x768xbf16, #tpu.memory_space<vmem>>, vector<64x768xbf16>
      %dot_general3A = arith.constant dense<0.000000e+00> : vector<64x256xf32>
      %dot_general3A_242 = tpu.matmul %get3A_241, %get3A_29, %dot_general3A {dimension_numbers = #tpu.dot_dimension_numbers<[1], [1], [0], [0], [0, 0, 1, 0], [], []>, transpose_lhs_hint = false} : vector<64x768xbf16>, vector<256x768xbf16>, vector<64x256xf32> -> vector<64x256xf32>
      %convert_element_type3A_243 = arith.truncf %dot_general3A_242 : vector<64x256xf32> to vector<64x256xbf16>
      %dot_general3A_244 = arith.constant dense<0.000000e+00> : vector<64x256xf32>
      %dot_general3A_245 = tpu.matmul %get3A_241, %get3A_34, %dot_general3A_244 {dimension_numbers = #tpu.dot_dimension_numbers<[1], [1], [0], [0], [0, 0, 1, 0], [], []>, transpose_lhs_hint = false} : vector<64x768xbf16>, vector<256x768xbf16>, vector<64x256xf32> -> vector<64x256xf32>
      %convert_element_type3A_246 = arith.truncf %dot_general3A_245 : vector<64x256xf32> to vector<64x256xbf16>
      %convert_element_type3A_247 = arith.extf %convert_element_type3A_243 : vector<64x256xbf16> to vector<64x256xf32>
      %logistic3A = arith.negf %convert_element_type3A_247 : vector<64x256xf32>
      %logistic3A_248 = math.exp %logistic3A : vector<64x256xf32>
      %logistic3A_249 = arith.constant 1.000000e+00 : f32
      %logistic3A_250 = vector.broadcast %logistic3A_249 : f32 to vector<64x256xf32>
      %logistic3A_251 = arith.addf %logistic3A_250, %logistic3A_248 : vector<64x256xf32>
      %logistic3A_252 = arith.divf %logistic3A_250, %logistic3A_251 : vector<64x256xf32>
      %convert_element_type3A_253 = arith.truncf %logistic3A_252 : vector<64x256xf32> to vector<64x256xbf16>
      %mul3A_254 = arith.mulf %convert_element_type3A_243, %convert_element_type3A_253 : vector<64x256xbf16>
      %mul3A_255 = arith.mulf %convert_element_type3A_246, %mul3A_254 : vector<64x256xbf16>
      %dot_general3A_256 = arith.constant dense<0.000000e+00> : vector<64x768xf32>
      %dot_general3A_257 = tpu.matmul %mul3A_255, %get3A_39, %dot_general3A_256 {dimension_numbers = #tpu.dot_dimension_numbers<[1], [1], [0], [0], [0, 0, 1, 0], [], []>, transpose_lhs_hint = false} : vector<64x256xbf16>, vector<768x256xbf16>, vector<64x768xf32> -> vector<64x768xf32>
      %convert_element_type3A_258 = arith.truncf %dot_general3A_257 : vector<64x768xf32> to vector<64x768xbf16>
      %swap3A = arith.index_cast %multiple_of3A_238 : i32 to index
      %swap3A_259 = arith.constant 0 : index
      %swap3A_260 = vector.load %arg9[%swap3A, %swap3A_259] : memref<3136x768xbf16, #tpu.memory_space<vmem>>, vector<64x768xbf16>
      tpu.vector_store %arg9[%swap3A, %swap3A_259], %convert_element_type3A_258 {strides = array<i32>} : memref<3136x768xbf16, #tpu.memory_space<vmem>>, vector<64x768xbf16>,
    }
    %mul3A_49 = arith.constant 4 : i32
    %mul3A_50 = arith.muli %arg0, %mul3A_49 : i32
    %add3A_51 = arith.constant 1 : i32
    %add3A_52 = arith.addi %mul3A_50, %add3A_51 : i32
    %get3A_53 = arith.index_cast %add3A_52 : i32 to index
    %get3A_54 = memref.load %arg1[%get3A_53] : memref<64xi32, #tpu.memory_space<smem>>
    %multiple_of3A_55 = tpu.assume_multiple %get3A_54, 16 : i32
    %get3A_56 = arith.index_cast %add3A_52 : i32 to index
    %get3A_57 = memref.load %arg2[%get3A_56] : memref<64xi32, #tpu.memory_space<smem>>
    %add3A_58 = arith.constant 63 : i32
    %add3A_59 = arith.addi %get3A_57, %add3A_58 : i32
    %jit3A_60 = arith.constant 64 : i32
    %div3A_61 = arith.divsi %add3A_59, %jit3A_60 : i32
    %sign3A_62 = arith.constant 0 : i32
    %sign3A_63 = arith.cmpi sgt, %add3A_59, %sign3A_62 : i32
    %sign3A_64 = arith.extui %sign3A_63 : i1 to i32
    %sign3A_65 = arith.constant 0 : i32
    %sign3A_66 = arith.cmpi slt, %add3A_59, %sign3A_65 : i32
    %sign3A_67 = arith.extui %sign3A_66 : i1 to i32
    %sign3A_68 = arith.subi %sign3A_64, %sign3A_67 : i32
    %sign3A_69 = arith.constant 0 : i32
    %sign3A_70 = arith.cmpi sgt, %jit3A_60, %sign3A_69 : i32
    %sign3A_71 = arith.extui %sign3A_70 : i1 to i32
    %sign3A_72 = arith.constant 0 : i32
    %sign3A_73 = arith.cmpi slt, %jit3A_60, %sign3A_72 : i32
    %sign3A_74 = arith.extui %sign3A_73 : i1 to i32
    %sign3A_75 = arith.subi %sign3A_71, %sign3A_74 : i32
    %ne3A_76 = arith.cmpi ne, %sign3A_68, %sign3A_75 : i32
    %rem3A_77 = arith.remsi %add3A_59, %jit3A_60 : i32
    %ne3A_78 = arith.constant 0 : i32
    %ne3A_79 = arith.cmpi ne, %rem3A_77, %ne3A_78 : i32
    %and3A_80 = arith.andi %ne3A_76, %ne3A_79 : i1
    %sub3A_81 = arith.constant 1 : i32
    %sub3A_82 = arith.subi %div3A_61, %sub3A_81 : i32
    %select_n3A_83 = arith.select %and3A_80, %sub3A_82, %div3A_61 : i32
    %get3A_84 = arith.constant 1 : index
    %get3A_85 = arith.constant 0 : index
    %get3A_86 = arith.constant 0 : index
    %get3A_87 = vector.load %arg4[%get3A_84, %get3A_85, %get3A_86] : memref<4x256x768xbf16, #tpu.memory_space<vmem>>, vector<1x256x768xbf16>
    %get3A_88 = vector.shape_cast %get3A_87 : vector<1x256x768xbf16> to vector<256x768xbf16>
    %get3A_89 = arith.constant 1 : index
    %get3A_90 = arith.constant 0 : index
    %get3A_91 = arith.constant 0 : index
    %get3A_92 = vector.load %arg5[%get3A_89, %get3A_90, %get3A_91] : memref<4x256x768xbf16, #tpu.memory_space<vmem>>, vector<1x256x768xbf16>
    %get3A_93 = vector.shape_cast %get3A_92 : vector<1x256x768xbf16> to vector<256x768xbf16>
    %get3A_94 = arith.constant 1 : index
    %get3A_95 = arith.constant 0 : index
    %get3A_96 = arith.constant 0 : index
    %get3A_97 = vector.load %arg6[%get3A_94, %get3A_95, %get3A_96] : memref<4x768x256xbf16, #tpu.memory_space<vmem>>, vector<1x768x256xbf16>
    %get3A_98 = vector.shape_cast %get3A_97 : vector<1x768x256xbf16> to vector<768x256xbf16>
    %while3A_99 = arith.constant 0 : i32
    %while3A_100 = arith.constant 0 : i32
    %while3A_101 = arith.subi %select_n3A_83, %while3A_100 : i32
    %while3A_102 = arith.addi %while3A_100, %while3A_101 : i32
    %while3A_103 = arith.constant 1 : i32
    %while3A_104 = arith.divsi %while3A_101, %while3A_103 : i32
    %while3A_105 = arith.muli %while3A_104, %while3A_103 : i32
    %while3A_106 = arith.addi %while3A_100, %while3A_105 : i32
    %while3A_107 = arith.constant 1 : i32
    scf.for %while3A_234 = %while3A_100 to %while3A_106 step %while3A_107  : i32 {
      %mul3A_235 = arith.constant 64 : i32
      %mul3A_236 = arith.muli %while3A_234, %mul3A_235 : i32
      %add3A_237 = arith.addi %multiple_of3A_55, %mul3A_236 : i32
      %multiple_of3A_238 = tpu.assume_multiple %add3A_237, 16 : i32
      %get3A_239 = arith.index_cast %multiple_of3A_238 : i32 to index
      %get3A_240 = arith.constant 0 : index
      %get3A_241 = vector.load %arg8[%get3A_239, %get3A_240] : memref<3136x768xbf16, #tpu.memory_space<vmem>>, vector<64x768xbf16>
      %dot_general3A = arith.constant dense<0.000000e+00> : vector<64x256xf32>
      %dot_general3A_242 = tpu.matmul %get3A_241, %get3A_88, %dot_general3A {dimension_numbers = #tpu.dot_dimension_numbers<[1], [1], [0], [0], [0, 0, 1, 0], [], []>, transpose_lhs_hint = false} : vector<64x768xbf16>, vector<256x768xbf16>, vector<64x256xf32> -> vector<64x256xf32>
      %convert_element_type3A_243 = arith.truncf %dot_general3A_242 : vector<64x256xf32> to vector<64x256xbf16>
      %dot_general3A_244 = arith.constant dense<0.000000e+00> : vector<64x256xf32>
      %dot_general3A_245 = tpu.matmul %get3A_241, %get3A_93, %dot_general3A_244 {dimension_numbers = #tpu.dot_dimension_numbers<[1], [1], [0], [0], [0, 0, 1, 0], [], []>, transpose_lhs_hint = false} : vector<64x768xbf16>, vector<256x768xbf16>, vector<64x256xf32> -> vector<64x256xf32>
      %convert_element_type3A_246 = arith.truncf %dot_general3A_245 : vector<64x256xf32> to vector<64x256xbf16>
      %convert_element_type3A_247 = arith.extf %convert_element_type3A_243 : vector<64x256xbf16> to vector<64x256xf32>
      %logistic3A = arith.negf %convert_element_type3A_247 : vector<64x256xf32>
      %logistic3A_248 = math.exp %logistic3A : vector<64x256xf32>
      %logistic3A_249 = arith.constant 1.000000e+00 : f32
      %logistic3A_250 = vector.broadcast %logistic3A_249 : f32 to vector<64x256xf32>
      %logistic3A_251 = arith.addf %logistic3A_250, %logistic3A_248 : vector<64x256xf32>
      %logistic3A_252 = arith.divf %logistic3A_250, %logistic3A_251 : vector<64x256xf32>
      %convert_element_type3A_253 = arith.truncf %logistic3A_252 : vector<64x256xf32> to vector<64x256xbf16>
      %mul3A_254 = arith.mulf %convert_element_type3A_243, %convert_element_type3A_253 : vector<64x256xbf16>
      %mul3A_255 = arith.mulf %convert_element_type3A_246, %mul3A_254 : vector<64x256xbf16>
      %dot_general3A_256 = arith.constant dense<0.000000e+00> : vector<64x768xf32>
      %dot_general3A_257 = tpu.matmul %mul3A_255, %get3A_98, %dot_general3A_256 {dimension_numbers = #tpu.dot_dimension_numbers<[1], [1], [0], [0], [0, 0, 1, 0], [], []>, transpose_lhs_hint = false} : vector<64x256xbf16>, vector<768x256xbf16>, vector<64x768xf32> -> vector<64x768xf32>
      %convert_element_type3A_258 = arith.truncf %dot_general3A_257 : vector<64x768xf32> to vector<64x768xbf16>
      %swap3A = arith.index_cast %multiple_of3A_238 : i32 to index
      %swap3A_259 = arith.constant 0 : index
      %swap3A_260 = vector.load %arg9[%swap3A, %swap3A_259] : memref<3136x768xbf16, #tpu.memory_space<vmem>>, vector<64x768xbf16>
      tpu.vector_store %arg9[%swap3A, %swap3A_259], %convert_element_type3A_258 {strides = array<i32>} : memref<3136x768xbf16, #tpu.memory_space<vmem>>, vector<64x768xbf16>,
    }
    %while3A_108 = arith.constant 1 : i32
    scf.for %while3A_234 = %while3A_106 to %while3A_102 step %while3A_108  : i32 {
      %mul3A_235 = arith.constant 64 : i32
      %mul3A_236 = arith.muli %while3A_234, %mul3A_235 : i32
      %add3A_237 = arith.addi %multiple_of3A_55, %mul3A_236 : i32
      %multiple_of3A_238 = tpu.assume_multiple %add3A_237, 16 : i32
      %get3A_239 = arith.index_cast %multiple_of3A_238 : i32 to index
      %get3A_240 = arith.constant 0 : index
      %get3A_241 = vector.load %arg8[%get3A_239, %get3A_240] : memref<3136x768xbf16, #tpu.memory_space<vmem>>, vector<64x768xbf16>
      %dot_general3A = arith.constant dense<0.000000e+00> : vector<64x256xf32>
      %dot_general3A_242 = tpu.matmul %get3A_241, %get3A_88, %dot_general3A {dimension_numbers = #tpu.dot_dimension_numbers<[1], [1], [0], [0], [0, 0, 1, 0], [], []>, transpose_lhs_hint = false} : vector<64x768xbf16>, vector<256x768xbf16>, vector<64x256xf32> -> vector<64x256xf32>
      %convert_element_type3A_243 = arith.truncf %dot_general3A_242 : vector<64x256xf32> to vector<64x256xbf16>
      %dot_general3A_244 = arith.constant dense<0.000000e+00> : vector<64x256xf32>
      %dot_general3A_245 = tpu.matmul %get3A_241, %get3A_93, %dot_general3A_244 {dimension_numbers = #tpu.dot_dimension_numbers<[1], [1], [0], [0], [0, 0, 1, 0], [], []>, transpose_lhs_hint = false} : vector<64x768xbf16>, vector<256x768xbf16>, vector<64x256xf32> -> vector<64x256xf32>
      %convert_element_type3A_246 = arith.truncf %dot_general3A_245 : vector<64x256xf32> to vector<64x256xbf16>
      %convert_element_type3A_247 = arith.extf %convert_element_type3A_243 : vector<64x256xbf16> to vector<64x256xf32>
      %logistic3A = arith.negf %convert_element_type3A_247 : vector<64x256xf32>
      %logistic3A_248 = math.exp %logistic3A : vector<64x256xf32>
      %logistic3A_249 = arith.constant 1.000000e+00 : f32
      %logistic3A_250 = vector.broadcast %logistic3A_249 : f32 to vector<64x256xf32>
      %logistic3A_251 = arith.addf %logistic3A_250, %logistic3A_248 : vector<64x256xf32>
      %logistic3A_252 = arith.divf %logistic3A_250, %logistic3A_251 : vector<64x256xf32>
      %convert_element_type3A_253 = arith.truncf %logistic3A_252 : vector<64x256xf32> to vector<64x256xbf16>
      %mul3A_254 = arith.mulf %convert_element_type3A_243, %convert_element_type3A_253 : vector<64x256xbf16>
      %mul3A_255 = arith.mulf %convert_element_type3A_246, %mul3A_254 : vector<64x256xbf16>
      %dot_general3A_256 = arith.constant dense<0.000000e+00> : vector<64x768xf32>
      %dot_general3A_257 = tpu.matmul %mul3A_255, %get3A_98, %dot_general3A_256 {dimension_numbers = #tpu.dot_dimension_numbers<[1], [1], [0], [0], [0, 0, 1, 0], [], []>, transpose_lhs_hint = false} : vector<64x256xbf16>, vector<768x256xbf16>, vector<64x768xf32> -> vector<64x768xf32>
      %convert_element_type3A_258 = arith.truncf %dot_general3A_257 : vector<64x768xf32> to vector<64x768xbf16>
      %swap3A = arith.index_cast %multiple_of3A_238 : i32 to index
      %swap3A_259 = arith.constant 0 : index
      %swap3A_260 = vector.load %arg9[%swap3A, %swap3A_259] : memref<3136x768xbf16, #tpu.memory_space<vmem>>, vector<64x768xbf16>
      tpu.vector_store %arg9[%swap3A, %swap3A_259], %convert_element_type3A_258 {strides = array<i32>} : memref<3136x768xbf16, #tpu.memory_space<vmem>>, vector<64x768xbf16>,
    }
    %mul3A_109 = arith.constant 4 : i32
    %mul3A_110 = arith.muli %arg0, %mul3A_109 : i32
    %add3A_111 = arith.constant 2 : i32
    %add3A_112 = arith.addi %mul3A_110, %add3A_111 : i32
    %get3A_113 = arith.index_cast %add3A_112 : i32 to index
    %get3A_114 = memref.load %arg1[%get3A_113] : memref<64xi32, #tpu.memory_space<smem>>
    %multiple_of3A_115 = tpu.assume_multiple %get3A_114, 16 : i32
    %get3A_116 = arith.index_cast %add3A_112 : i32 to index
    %get3A_117 = memref.load %arg2[%get3A_116] : memref<64xi32, #tpu.memory_space<smem>>
    %add3A_118 = arith.constant 63 : i32
    %add3A_119 = arith.addi %get3A_117, %add3A_118 : i32
    %jit3A_120 = arith.constant 64 : i32
    %div3A_121 = arith.divsi %add3A_119, %jit3A_120 : i32
    %sign3A_122 = arith.constant 0 : i32
    %sign3A_123 = arith.cmpi sgt, %add3A_119, %sign3A_122 : i32
    %sign3A_124 = arith.extui %sign3A_123 : i1 to i32
    %sign3A_125 = arith.constant 0 : i32
    %sign3A_126 = arith.cmpi slt, %add3A_119, %sign3A_125 : i32
    %sign3A_127 = arith.extui %sign3A_126 : i1 to i32
    %sign3A_128 = arith.subi %sign3A_124, %sign3A_127 : i32
    %sign3A_129 = arith.constant 0 : i32
    %sign3A_130 = arith.cmpi sgt, %jit3A_120, %sign3A_129 : i32
    %sign3A_131 = arith.extui %sign3A_130 : i1 to i32
    %sign3A_132 = arith.constant 0 : i32
    %sign3A_133 = arith.cmpi slt, %jit3A_120, %sign3A_132 : i32
    %sign3A_134 = arith.extui %sign3A_133 : i1 to i32
    %sign3A_135 = arith.subi %sign3A_131, %sign3A_134 : i32
    %ne3A_136 = arith.cmpi ne, %sign3A_128, %sign3A_135 : i32
    %rem3A_137 = arith.remsi %add3A_119, %jit3A_120 : i32
    %ne3A_138 = arith.constant 0 : i32
    %ne3A_139 = arith.cmpi ne, %rem3A_137, %ne3A_138 : i32
    %and3A_140 = arith.andi %ne3A_136, %ne3A_139 : i1
    %sub3A_141 = arith.constant 1 : i32
    %sub3A_142 = arith.subi %div3A_121, %sub3A_141 : i32
    %select_n3A_143 = arith.select %and3A_140, %sub3A_142, %div3A_121 : i32
    %get3A_144 = arith.constant 2 : index
    %get3A_145 = arith.constant 0 : index
    %get3A_146 = arith.constant 0 : index
    %get3A_147 = vector.load %arg4[%get3A_144, %get3A_145, %get3A_146] : memref<4x256x768xbf16, #tpu.memory_space<vmem>>, vector<1x256x768xbf16>
    %get3A_148 = vector.shape_cast %get3A_147 : vector<1x256x768xbf16> to vector<256x768xbf16>
    %get3A_149 = arith.constant 2 : index
    %get3A_150 = arith.constant 0 : index
    %get3A_151 = arith.constant 0 : index
    %get3A_152 = vector.load %arg5[%get3A_149, %get3A_150, %get3A_151] : memref<4x256x768xbf16, #tpu.memory_space<vmem>>, vector<1x256x768xbf16>
    %get3A_153 = vector.shape_cast %get3A_152 : vector<1x256x768xbf16> to vector<256x768xbf16>
    %get3A_154 = arith.constant 2 : index
    %get3A_155 = arith.constant 0 : index
    %get3A_156 = arith.constant 0 : index
    %get3A_157 = vector.load %arg6[%get3A_154, %get3A_155, %get3A_156] : memref<4x768x256xbf16, #tpu.memory_space<vmem>>, vector<1x768x256xbf16>
    %get3A_158 = vector.shape_cast %get3A_157 : vector<1x768x256xbf16> to vector<768x256xbf16>
    %while3A_159 = arith.constant 0 : i32
    %while3A_160 = arith.constant 0 : i32
    %while3A_161 = arith.subi %select_n3A_143, %while3A_160 : i32
    %while3A_162 = arith.addi %while3A_160, %while3A_161 : i32
    %while3A_163 = arith.constant 1 : i32
    %while3A_164 = arith.divsi %while3A_161, %while3A_163 : i32
    %while3A_165 = arith.muli %while3A_164, %while3A_163 : i32
    %while3A_166 = arith.addi %while3A_160, %while3A_165 : i32
    %while3A_167 = arith.constant 1 : i32
    scf.for %while3A_234 = %while3A_160 to %while3A_166 step %while3A_167  : i32 {
      %mul3A_235 = arith.constant 64 : i32
      %mul3A_236 = arith.muli %while3A_234, %mul3A_235 : i32
      %add3A_237 = arith.addi %multiple_of3A_115, %mul3A_236 : i32
      %multiple_of3A_238 = tpu.assume_multiple %add3A_237, 16 : i32
      %get3A_239 = arith.index_cast %multiple_of3A_238 : i32 to index
      %get3A_240 = arith.constant 0 : index
      %get3A_241 = vector.load %arg8[%get3A_239, %get3A_240] : memref<3136x768xbf16, #tpu.memory_space<vmem>>, vector<64x768xbf16>
      %dot_general3A = arith.constant dense<0.000000e+00> : vector<64x256xf32>
      %dot_general3A_242 = tpu.matmul %get3A_241, %get3A_148, %dot_general3A {dimension_numbers = #tpu.dot_dimension_numbers<[1], [1], [0], [0], [0, 0, 1, 0], [], []>, transpose_lhs_hint = false} : vector<64x768xbf16>, vector<256x768xbf16>, vector<64x256xf32> -> vector<64x256xf32>
      %convert_element_type3A_243 = arith.truncf %dot_general3A_242 : vector<64x256xf32> to vector<64x256xbf16>
      %dot_general3A_244 = arith.constant dense<0.000000e+00> : vector<64x256xf32>
      %dot_general3A_245 = tpu.matmul %get3A_241, %get3A_153, %dot_general3A_244 {dimension_numbers = #tpu.dot_dimension_numbers<[1], [1], [0], [0], [0, 0, 1, 0], [], []>, transpose_lhs_hint = false} : vector<64x768xbf16>, vector<256x768xbf16>, vector<64x256xf32> -> vector<64x256xf32>
      %convert_element_type3A_246 = arith.truncf %dot_general3A_245 : vector<64x256xf32> to vector<64x256xbf16>
      %convert_element_type3A_247 = arith.extf %convert_element_type3A_243 : vector<64x256xbf16> to vector<64x256xf32>
      %logistic3A = arith.negf %convert_element_type3A_247 : vector<64x256xf32>
      %logistic3A_248 = math.exp %logistic3A : vector<64x256xf32>
      %logistic3A_249 = arith.constant 1.000000e+00 : f32
      %logistic3A_250 = vector.broadcast %logistic3A_249 : f32 to vector<64x256xf32>
      %logistic3A_251 = arith.addf %logistic3A_250, %logistic3A_248 : vector<64x256xf32>
      %logistic3A_252 = arith.divf %logistic3A_250, %logistic3A_251 : vector<64x256xf32>
      %convert_element_type3A_253 = arith.truncf %logistic3A_252 : vector<64x256xf32> to vector<64x256xbf16>
      %mul3A_254 = arith.mulf %convert_element_type3A_243, %convert_element_type3A_253 : vector<64x256xbf16>
      %mul3A_255 = arith.mulf %convert_element_type3A_246, %mul3A_254 : vector<64x256xbf16>
      %dot_general3A_256 = arith.constant dense<0.000000e+00> : vector<64x768xf32>
      %dot_general3A_257 = tpu.matmul %mul3A_255, %get3A_158, %dot_general3A_256 {dimension_numbers = #tpu.dot_dimension_numbers<[1], [1], [0], [0], [0, 0, 1, 0], [], []>, transpose_lhs_hint = false} : vector<64x256xbf16>, vector<768x256xbf16>, vector<64x768xf32> -> vector<64x768xf32>
      %convert_element_type3A_258 = arith.truncf %dot_general3A_257 : vector<64x768xf32> to vector<64x768xbf16>
      %swap3A = arith.index_cast %multiple_of3A_238 : i32 to index
      %swap3A_259 = arith.constant 0 : index
      %swap3A_260 = vector.load %arg9[%swap3A, %swap3A_259] : memref<3136x768xbf16, #tpu.memory_space<vmem>>, vector<64x768xbf16>
      tpu.vector_store %arg9[%swap3A, %swap3A_259], %convert_element_type3A_258 {strides = array<i32>} : memref<3136x768xbf16, #tpu.memory_space<vmem>>, vector<64x768xbf16>,
    }
    %while3A_168 = arith.constant 1 : i32
    scf.for %while3A_234 = %while3A_166 to %while3A_162 step %while3A_168  : i32 {
      %mul3A_235 = arith.constant 64 : i32
      %mul3A_236 = arith.muli %while3A_234, %mul3A_235 : i32
      %add3A_237 = arith.addi %multiple_of3A_115, %mul3A_236 : i32
      %multiple_of3A_238 = tpu.assume_multiple %add3A_237, 16 : i32
      %get3A_239 = arith.index_cast %multiple_of3A_238 : i32 to index
      %get3A_240 = arith.constant 0 : index
      %get3A_241 = vector.load %arg8[%get3A_239, %get3A_240] : memref<3136x768xbf16, #tpu.memory_space<vmem>>, vector<64x768xbf16>
      %dot_general3A = arith.constant dense<0.000000e+00> : vector<64x256xf32>
      %dot_general3A_242 = tpu.matmul %get3A_241, %get3A_148, %dot_general3A {dimension_numbers = #tpu.dot_dimension_numbers<[1], [1], [0], [0], [0, 0, 1, 0], [], []>, transpose_lhs_hint = false} : vector<64x768xbf16>, vector<256x768xbf16>, vector<64x256xf32> -> vector<64x256xf32>
      %convert_element_type3A_243 = arith.truncf %dot_general3A_242 : vector<64x256xf32> to vector<64x256xbf16>
      %dot_general3A_244 = arith.constant dense<0.000000e+00> : vector<64x256xf32>
      %dot_general3A_245 = tpu.matmul %get3A_241, %get3A_153, %dot_general3A_244 {dimension_numbers = #tpu.dot_dimension_numbers<[1], [1], [0], [0], [0, 0, 1, 0], [], []>, transpose_lhs_hint = false} : vector<64x768xbf16>, vector<256x768xbf16>, vector<64x256xf32> -> vector<64x256xf32>
      %convert_element_type3A_246 = arith.truncf %dot_general3A_245 : vector<64x256xf32> to vector<64x256xbf16>
      %convert_element_type3A_247 = arith.extf %convert_element_type3A_243 : vector<64x256xbf16> to vector<64x256xf32>
      %logistic3A = arith.negf %convert_element_type3A_247 : vector<64x256xf32>
      %logistic3A_248 = math.exp %logistic3A : vector<64x256xf32>
      %logistic3A_249 = arith.constant 1.000000e+00 : f32
      %logistic3A_250 = vector.broadcast %logistic3A_249 : f32 to vector<64x256xf32>
      %logistic3A_251 = arith.addf %logistic3A_250, %logistic3A_248 : vector<64x256xf32>
      %logistic3A_252 = arith.divf %logistic3A_250, %logistic3A_251 : vector<64x256xf32>
      %convert_element_type3A_253 = arith.truncf %logistic3A_252 : vector<64x256xf32> to vector<64x256xbf16>
      %mul3A_254 = arith.mulf %convert_element_type3A_243, %convert_element_type3A_253 : vector<64x256xbf16>
      %mul3A_255 = arith.mulf %convert_element_type3A_246, %mul3A_254 : vector<64x256xbf16>
      %dot_general3A_256 = arith.constant dense<0.000000e+00> : vector<64x768xf32>
      %dot_general3A_257 = tpu.matmul %mul3A_255, %get3A_158, %dot_general3A_256 {dimension_numbers = #tpu.dot_dimension_numbers<[1], [1], [0], [0], [0, 0, 1, 0], [], []>, transpose_lhs_hint = false} : vector<64x256xbf16>, vector<768x256xbf16>, vector<64x768xf32> -> vector<64x768xf32>
      %convert_element_type3A_258 = arith.truncf %dot_general3A_257 : vector<64x768xf32> to vector<64x768xbf16>
      %swap3A = arith.index_cast %multiple_of3A_238 : i32 to index
      %swap3A_259 = arith.constant 0 : index
      %swap3A_260 = vector.load %arg9[%swap3A, %swap3A_259] : memref<3136x768xbf16, #tpu.memory_space<vmem>>, vector<64x768xbf16>
      tpu.vector_store %arg9[%swap3A, %swap3A_259], %convert_element_type3A_258 {strides = array<i32>} : memref<3136x768xbf16, #tpu.memory_space<vmem>>, vector<64x768xbf16>,
    }
    %mul3A_169 = arith.constant 4 : i32
    %mul3A_170 = arith.muli %arg0, %mul3A_169 : i32
    %add3A_171 = arith.constant 3 : i32
    %add3A_172 = arith.addi %mul3A_170, %add3A_171 : i32
    %get3A_173 = arith.index_cast %add3A_172 : i32 to index
    %get3A_174 = memref.load %arg1[%get3A_173] : memref<64xi32, #tpu.memory_space<smem>>
    %multiple_of3A_175 = tpu.assume_multiple %get3A_174, 16 : i32
    %get3A_176 = arith.index_cast %add3A_172 : i32 to index
    %get3A_177 = memref.load %arg2[%get3A_176] : memref<64xi32, #tpu.memory_space<smem>>
    %add3A_178 = arith.constant 63 : i32
    %add3A_179 = arith.addi %get3A_177, %add3A_178 : i32
    %jit3A_180 = arith.constant 64 : i32
    %div3A_181 = arith.divsi %add3A_179, %jit3A_180 : i32
    %sign3A_182 = arith.constant 0 : i32
    %sign3A_183 = arith.cmpi sgt, %add3A_179, %sign3A_182 : i32
    %sign3A_184 = arith.extui %sign3A_183 : i1 to i32
    %sign3A_185 = arith.constant 0 : i32
    %sign3A_186 = arith.cmpi slt, %add3A_179, %sign3A_185 : i32
    %sign3A_187 = arith.extui %sign3A_186 : i1 to i32
    %sign3A_188 = arith.subi %sign3A_184, %sign3A_187 : i32
    %sign3A_189 = arith.constant 0 : i32
    %sign3A_190 = arith.cmpi sgt, %jit3A_180, %sign3A_189 : i32
    %sign3A_191 = arith.extui %sign3A_190 : i1 to i32
    %sign3A_192 = arith.constant 0 : i32
    %sign3A_193 = arith.cmpi slt, %jit3A_180, %sign3A_192 : i32
    %sign3A_194 = arith.extui %sign3A_193 : i1 to i32
    %sign3A_195 = arith.subi %sign3A_191, %sign3A_194 : i32
    %ne3A_196 = arith.cmpi ne, %sign3A_188, %sign3A_195 : i32
    %rem3A_197 = arith.remsi %add3A_179, %jit3A_180 : i32
    %ne3A_198 = arith.constant 0 : i32
    %ne3A_199 = arith.cmpi ne, %rem3A_197, %ne3A_198 : i32
    %and3A_200 = arith.andi %ne3A_196, %ne3A_199 : i1
    %sub3A_201 = arith.constant 1 : i32
    %sub3A_202 = arith.subi %div3A_181, %sub3A_201 : i32
    %select_n3A_203 = arith.select %and3A_200, %sub3A_202, %div3A_181 : i32
    %get3A_204 = arith.constant 3 : index
    %get3A_205 = arith.constant 0 : index
    %get3A_206 = arith.constant 0 : index
    %get3A_207 = vector.load %arg4[%get3A_204, %get3A_205, %get3A_206] : memref<4x256x768xbf16, #tpu.memory_space<vmem>>, vector<1x256x768xbf16>
    %get3A_208 = vector.shape_cast %get3A_207 : vector<1x256x768xbf16> to vector<256x768xbf16>
    %get3A_209 = arith.constant 3 : index
    %get3A_210 = arith.constant 0 : index
    %get3A_211 = arith.constant 0 : index
    %get3A_212 = vector.load %arg5[%get3A_209, %get3A_210, %get3A_211] : memref<4x256x768xbf16, #tpu.memory_space<vmem>>, vector<1x256x768xbf16>
    %get3A_213 = vector.shape_cast %get3A_212 : vector<1x256x768xbf16> to vector<256x768xbf16>
    %get3A_214 = arith.constant 3 : index
    %get3A_215 = arith.constant 0 : index
    %get3A_216 = arith.constant 0 : index
    %get3A_217 = vector.load %arg6[%get3A_214, %get3A_215, %get3A_216] : memref<4x768x256xbf16, #tpu.memory_space<vmem>>, vector<1x768x256xbf16>
    %get3A_218 = vector.shape_cast %get3A_217 : vector<1x768x256xbf16> to vector<768x256xbf16>
    %while3A_219 = arith.constant 0 : i32
    %while3A_220 = arith.constant 0 : i32
    %while3A_221 = arith.subi %select_n3A_203, %while3A_220 : i32
    %while3A_222 = arith.addi %while3A_220, %while3A_221 : i32
    %while3A_223 = arith.constant 1 : i32
    %while3A_224 = arith.divsi %while3A_221, %while3A_223 : i32
    %while3A_225 = arith.muli %while3A_224, %while3A_223 : i32
    %while3A_226 = arith.addi %while3A_220, %while3A_225 : i32
    %while3A_227 = arith.constant 1 : i32
    scf.for %while3A_234 = %while3A_220 to %while3A_226 step %while3A_227  : i32 {
      %mul3A_235 = arith.constant 64 : i32
      %mul3A_236 = arith.muli %while3A_234, %mul3A_235 : i32
      %add3A_237 = arith.addi %multiple_of3A_175, %mul3A_236 : i32
      %multiple_of3A_238 = tpu.assume_multiple %add3A_237, 16 : i32
      %get3A_239 = arith.index_cast %multiple_of3A_238 : i32 to index
      %get3A_240 = arith.constant 0 : index
      %get3A_241 = vector.load %arg8[%get3A_239, %get3A_240] : memref<3136x768xbf16, #tpu.memory_space<vmem>>, vector<64x768xbf16>
      %dot_general3A = arith.constant dense<0.000000e+00> : vector<64x256xf32>
      %dot_general3A_242 = tpu.matmul %get3A_241, %get3A_208, %dot_general3A {dimension_numbers = #tpu.dot_dimension_numbers<[1], [1], [0], [0], [0, 0, 1, 0], [], []>, transpose_lhs_hint = false} : vector<64x768xbf16>, vector<256x768xbf16>, vector<64x256xf32> -> vector<64x256xf32>
      %convert_element_type3A_243 = arith.truncf %dot_general3A_242 : vector<64x256xf32> to vector<64x256xbf16>
      %dot_general3A_244 = arith.constant dense<0.000000e+00> : vector<64x256xf32>
      %dot_general3A_245 = tpu.matmul %get3A_241, %get3A_213, %dot_general3A_244 {dimension_numbers = #tpu.dot_dimension_numbers<[1], [1], [0], [0], [0, 0, 1, 0], [], []>, transpose_lhs_hint = false} : vector<64x768xbf16>, vector<256x768xbf16>, vector<64x256xf32> -> vector<64x256xf32>
      %convert_element_type3A_246 = arith.truncf %dot_general3A_245 : vector<64x256xf32> to vector<64x256xbf16>
      %convert_element_type3A_247 = arith.extf %convert_element_type3A_243 : vector<64x256xbf16> to vector<64x256xf32>
      %logistic3A = arith.negf %convert_element_type3A_247 : vector<64x256xf32>
      %logistic3A_248 = math.exp %logistic3A : vector<64x256xf32>
      %logistic3A_249 = arith.constant 1.000000e+00 : f32
      %logistic3A_250 = vector.broadcast %logistic3A_249 : f32 to vector<64x256xf32>
      %logistic3A_251 = arith.addf %logistic3A_250, %logistic3A_248 : vector<64x256xf32>
      %logistic3A_252 = arith.divf %logistic3A_250, %logistic3A_251 : vector<64x256xf32>
      %convert_element_type3A_253 = arith.truncf %logistic3A_252 : vector<64x256xf32> to vector<64x256xbf16>
      %mul3A_254 = arith.mulf %convert_element_type3A_243, %convert_element_type3A_253 : vector<64x256xbf16>
      %mul3A_255 = arith.mulf %convert_element_type3A_246, %mul3A_254 : vector<64x256xbf16>
      %dot_general3A_256 = arith.constant dense<0.000000e+00> : vector<64x768xf32>
      %dot_general3A_257 = tpu.matmul %mul3A_255, %get3A_218, %dot_general3A_256 {dimension_numbers = #tpu.dot_dimension_numbers<[1], [1], [0], [0], [0, 0, 1, 0], [], []>, transpose_lhs_hint = false} : vector<64x256xbf16>, vector<768x256xbf16>, vector<64x768xf32> -> vector<64x768xf32>
      %convert_element_type3A_258 = arith.truncf %dot_general3A_257 : vector<64x768xf32> to vector<64x768xbf16>
      %swap3A = arith.index_cast %multiple_of3A_238 : i32 to index
      %swap3A_259 = arith.constant 0 : index
      %swap3A_260 = vector.load %arg9[%swap3A, %swap3A_259] : memref<3136x768xbf16, #tpu.memory_space<vmem>>, vector<64x768xbf16>
      tpu.vector_store %arg9[%swap3A, %swap3A_259], %convert_element_type3A_258 {strides = array<i32>} : memref<3136x768xbf16, #tpu.memory_space<vmem>>, vector<64x768xbf16>,
    }
    %while3A_228 = arith.constant 1 : i32
    scf.for %while3A_234 = %while3A_226 to %while3A_222 step %while3A_228  : i32 {
      %mul3A_235 = arith.constant 64 : i32
      %mul3A_236 = arith.muli %while3A_234, %mul3A_235 : i32
      %add3A_237 = arith.addi %multiple_of3A_175, %mul3A_236 : i32
      %multiple_of3A_238 = tpu.assume_multiple %add3A_237, 16 : i32
      %get3A_239 = arith.index_cast %multiple_of3A_238 : i32 to index
      %get3A_240 = arith.constant 0 : index
      %get3A_241 = vector.load %arg8[%get3A_239, %get3A_240] : memref<3136x768xbf16, #tpu.memory_space<vmem>>, vector<64x768xbf16>
      %dot_general3A = arith.constant dense<0.000000e+00> : vector<64x256xf32>
      %dot_general3A_242 = tpu.matmul %get3A_241, %get3A_208, %dot_general3A {dimension_numbers = #tpu.dot_dimension_numbers<[1], [1], [0], [0], [0, 0, 1, 0], [], []>, transpose_lhs_hint = false} : vector<64x768xbf16>, vector<256x768xbf16>, vector<64x256xf32> -> vector<64x256xf32>
      %convert_element_type3A_243 = arith.truncf %dot_general3A_242 : vector<64x256xf32> to vector<64x256xbf16>
      %dot_general3A_244 = arith.constant dense<0.000000e+00> : vector<64x256xf32>
      %dot_general3A_245 = tpu.matmul %get3A_241, %get3A_213, %dot_general3A_244 {dimension_numbers = #tpu.dot_dimension_numbers<[1], [1], [0], [0], [0, 0, 1, 0], [], []>, transpose_lhs_hint = false} : vector<64x768xbf16>, vector<256x768xbf16>, vector<64x256xf32> -> vector<64x256xf32>
      %convert_element_type3A_246 = arith.truncf %dot_general3A_245 : vector<64x256xf32> to vector<64x256xbf16>
      %convert_element_type3A_247 = arith.extf %convert_element_type3A_243 : vector<64x256xbf16> to vector<64x256xf32>
      %logistic3A = arith.negf %convert_element_type3A_247 : vector<64x256xf32>
      %logistic3A_248 = math.exp %logistic3A : vector<64x256xf32>
      %logistic3A_249 = arith.constant 1.000000e+00 : f32
      %logistic3A_250 = vector.broadcast %logistic3A_249 : f32 to vector<64x256xf32>
      %logistic3A_251 = arith.addf %logistic3A_250, %logistic3A_248 : vector<64x256xf32>
      %logistic3A_252 = arith.divf %logistic3A_250, %logistic3A_251 : vector<64x256xf32>
      %convert_element_type3A_253 = arith.truncf %logistic3A_252 : vector<64x256xf32> to vector<64x256xbf16>
      %mul3A_254 = arith.mulf %convert_element_type3A_243, %convert_element_type3A_253 : vector<64x256xbf16>
      %mul3A_255 = arith.mulf %convert_element_type3A_246, %mul3A_254 : vector<64x256xbf16>
      %dot_general3A_256 = arith.constant dense<0.000000e+00> : vector<64x768xf32>
      %dot_general3A_257 = tpu.matmul %mul3A_255, %get3A_218, %dot_general3A_256 {dimension_numbers = #tpu.dot_dimension_numbers<[1], [1], [0], [0], [0, 0, 1, 0], [], []>, transpose_lhs_hint = false} : vector<64x256xbf16>, vector<768x256xbf16>, vector<64x768xf32> -> vector<64x768xf32>
      %convert_element_type3A_258 = arith.truncf %dot_general3A_257 : vector<64x768xf32> to vector<64x768xbf16>
      %swap3A = arith.index_cast %multiple_of3A_238 : i32 to index
      %swap3A_259 = arith.constant 0 : index
      %swap3A_260 = vector.load %arg9[%swap3A, %swap3A_259] : memref<3136x768xbf16, #tpu.memory_space<vmem>>, vector<64x768xbf16>
      tpu.vector_store %arg9[%swap3A, %swap3A_259], %convert_element_type3A_258 {strides = array<i32>} : memref<3136x768xbf16, #tpu.memory_space<vmem>>, vector<64x768xbf16>,
    }
    %eq3A_229 = arith.constant 15 : i32
    %eq3A_230 = arith.cmpi eq, %arg0, %eq3A_229 : i32
    %convert_element_type3A_231 = arith.extui %eq3A_230 : i1 to i32
    %cond3A_232 = arith.constant 0 : i32
    %cond3A_233 = arith.cmpi ne, %convert_element_type3A_231, %cond3A_232 : i32
    scf.if %cond3A_233 {
      %get3A_234 = arith.constant 0 : index
      %get3A_235 = arith.constant 0 : index
      %get3A_236 = vector.load %arg9[%get3A_234, %get3A_235] : memref<3136x768xbf16, #tpu.memory_space<vmem>>, vector<3136x768xbf16>
      %convert_element_type3A_237 = arith.extf %get3A_236 : vector<3136x768xbf16> to vector<3136x768xf32>
      %slice3A = vector.extract_strided_slice %convert_element_type3A_237 {offsets = [0, 0], sizes = [3136, 384], strides = [1, 1]} : vector<3136x768xf32> to vector<3136x384xf32>
      %bitcast_convert_type3A = tpu.bitcast %slice3A : vector<3136x384xf32> -> vector<3136x384xi32>
      %slice3A_238 = vector.extract_strided_slice %convert_element_type3A_237 {offsets = [0, 384], sizes = [3136, 384], strides = [1, 1]} : vector<3136x768xf32> to vector<3136x384xf32>
      %bitcast_convert_type3A_239 = tpu.bitcast %slice3A_238 : vector<3136x384xf32> -> vector<3136x384xi32>
      %shift_right_logical3A = arith.constant 16 : i32
      %shift_right_logical3A_240 = vector.broadcast %shift_right_logical3A : i32 to vector<3136x384xi32>
      %shift_right_logical3A_241 = arith.shrui %bitcast_convert_type3A, %shift_right_logical3A_240 : vector<3136x384xi32>
      %and3A_242 = arith.constant -65536 : i32
      %and3A_243 = vector.broadcast %and3A_242 : i32 to vector<3136x384xi32>
      %and3A_244 = arith.andi %bitcast_convert_type3A_239, %and3A_243 : vector<3136x384xi32>
      %or3A = arith.ori %shift_right_logical3A_241, %and3A_244 : vector<3136x384xi32>
      %swap3A = arith.constant 0 : index
      %swap3A_245 = arith.constant 0 : index
      %swap3A_246 = vector.load %arg7[%swap3A, %swap3A_245] : memref<3136x384xi32, #tpu.memory_space<vmem>>, vector<3136x384xi32>
      tpu.vector_store %arg7[%swap3A, %swap3A_245], %or3A {strides = array<i32>} : memref<3136x384xi32, #tpu.memory_space<vmem>>, vector<3136x384xi32>,
    } else {
    }
    return
  }
  func.func @transform_0(%arg0: i32) -> i32 {
    %c0_i32 = arith.constant 0 : i32
    %c0_i32_0 = arith.constant 0 : i32
    return %c0_i32 : i32
  }
  func.func @transform_1(%arg0: i32) -> i32 {
    %c0_i32 = arith.constant 0 : i32
    %c0_i32_0 = arith.constant 0 : i32
    return %c0_i32 : i32
  }
  func.func @transform_2(%arg0: i32) -> (i32, i32) {
    %c0_i32 = arith.constant 0 : i32
    %c0_i32_0 = arith.constant 0 : i32
    %c0_i32_1 = arith.constant 0 : i32
    return %c0_i32, %c0_i32_0 : i32, i32
  }
  func.func @transform_3(%arg0: i32) -> (i32, i32, i32) {
    %c0_i32 = arith.constant 0 : i32
    %c0_i32_0 = arith.constant 0 : i32
    %c0_i32_1 = arith.constant 0 : i32
    return %arg0, %c0_i32, %c0_i32_0 : i32, i32, i32
  }
  func.func @transform_4(%arg0: i32) -> (i32, i32, i32) {
    %c0_i32 = arith.constant 0 : i32
    %c0_i32_0 = arith.constant 0 : i32
    %c0_i32_1 = arith.constant 0 : i32
    return %arg0, %c0_i32, %c0_i32_0 : i32, i32, i32
  }
  func.func @transform_5(%arg0: i32) -> (i32, i32, i32) {
    %c0_i32 = arith.constant 0 : i32
    %c0_i32_0 = arith.constant 0 : i32
    %c0_i32_1 = arith.constant 0 : i32
    return %arg0, %c0_i32, %c0_i32_0 : i32, i32, i32
  }
  func.func @transform_6(%arg0: i32) -> (i32, i32) {
    %c0_i32 = arith.constant 0 : i32
    %c0_i32_0 = arith.constant 0 : i32
    %c0_i32_1 = arith.constant 0 : i32
    return %c0_i32, %c0_i32_0 : i32, i32
  }
}

module attributes {stable_mosaic.version = 14 : i64} {
  func.func @_unpack_body(%arg0: memref<2048x384xi32, #tpu.memory_space<vmem>>, %arg1: memref<2048x768xbf16, #tpu.memory_space<vmem>>) attributes {dimension_semantics = [], scalar_prefetch = 0 : i64, scratch_operands = 0 : i64, tpu.core_type = #tpu.core_type<tc>} {
    %get3A = arith.constant 0 : index
    %get3A_0 = arith.constant 0 : index
    %get3A_1 = vector.load %arg0[%get3A, %get3A_0] : memref<2048x384xi32, #tpu.memory_space<vmem>>, vector<2048x384xi32>
    %shift_left3A = arith.constant 16 : i32
    %shift_left3A_2 = vector.broadcast %shift_left3A : i32 to vector<2048x384xi32>
    %shift_left3A_3 = arith.shli %get3A_1, %shift_left3A_2 : vector<2048x384xi32>
    %bitcast_convert_type3A = tpu.bitcast %shift_left3A_3 : vector<2048x384xi32> -> vector<2048x384xf32>
    %convert_element_type3A = arith.truncf %bitcast_convert_type3A : vector<2048x384xf32> to vector<2048x384xbf16>
    %and3A = arith.constant -65536 : i32
    %and3A_4 = vector.broadcast %and3A : i32 to vector<2048x384xi32>
    %and3A_5 = arith.andi %get3A_1, %and3A_4 : vector<2048x384xi32>
    %bitcast_convert_type3A_6 = tpu.bitcast %and3A_5 : vector<2048x384xi32> -> vector<2048x384xf32>
    %convert_element_type3A_7 = arith.truncf %bitcast_convert_type3A_6 : vector<2048x384xf32> to vector<2048x384xbf16>
    %concatenate3A = tpu.concatenate %convert_element_type3A, %convert_element_type3A_7 in 1 : vector<2048x384xbf16>, vector<2048x384xbf16> -> vector<2048x768xbf16>
    %swap3A = arith.constant 0 : index
    %swap3A_8 = arith.constant 0 : index
    %swap3A_9 = vector.load %arg1[%swap3A, %swap3A_8] : memref<2048x768xbf16, #tpu.memory_space<vmem>>, vector<2048x768xbf16>
    tpu.vector_store %arg1[%swap3A, %swap3A_8], %concatenate3A {strides = array<i32>} : memref<2048x768xbf16, #tpu.memory_space<vmem>>, vector<2048x768xbf16>,
    return
  }
}

</mosaic_0001>

<sc_bundles>
// kernel: gather_offload_async_start
scs
__scs_entry_jumppad:
0x0: {  	(pc) =	sbr.rel $0x88, $3  }
0x1: {  	(tag) =	ssettag $0x0;
	lr =	simm.s32 $0x1  }
0x2: {  	[smem:$0x3F9C] =	sst lr;
	_ =	strace $0xD0000000  }
0x3: {  	_ = 	snop  }
0x4: {  	_ = 	snop  }
0x5: {  	_ = 	snop  }
0x6: {  	_ = 	snop  }
0x7: {  	_ = 	snop  }
__scs_overlays_trampoline_lowered:
0x8: {  	[smem:$0x3FAB] =	sst s0  }
0x9: {  	[smem:$0x3FAC] =	sst s1  }
0xa: {  	[smem:$0x3FAD] =	sst s2  }
0xb: {  	[smem:$0x3FAE] =	sst s3  }
0xc: {  	[smem:$0x3FAF] =	sst s4  }
0xd: {  	[smem:$0x3FB0] =	sst s5  }
0xe: {  	[smem:$0x3FB1] =	sst s6  }
0xf: {  	[smem:$0x3FB2] =	sst s7  }
0x10: {  	[smem:$0x3FB3] =	sst s8  }
0x11: {  	[smem:$0x3FB4] =	sst s9;
	s0 =	simm.s32 @!p0 $0x0  }
0x12: {  	s1 =	sld [smem:$0x3F9A];
	s0 =	simm.s32 @p0 $0x1  }
0x13: {  	[smem:$0x3FB5] =	sst s0;
	s0 =	simm.s32 @!p1 $0x0  }
0x14: {  	s2 =	sld [smem:$0x3F99];
	s0 =	simm.s32 @p1 $0x1  }
0x15: {  	[smem:$0x3FB6] =	sst s0;
	s0 =	simm.s32 @!p2 $0x0  }
0x16: {  	s3 =	sld [smem:$0x3FDB];
	s0 =	simm.s32 @p2 $0x1  }
0x17: {  	s4 =	simm.s32 $0x1BF5;
	[smem:$0x3FB8] =	sst s0  }
0x18: {  	s0 =	sld [smem:$0x3F9B];
	_ =	swait.ge [sflag:s4], $0x0  }
0x19: {  	s7 =	sld [smem:$0x3F9C]  }
0x1a: {  	s8 =	sadd.s32 $0xFFFFE003, lr  }
0x1b: {  	s9 =	sadd.s32 $0xFFFFFEF7, lr;
	s5 =	simm.s32 $0xFFFFFFFF;
	p2 =	slt.u32 s8, $0xFFFFF086  }
0x1c: {  	p1 =	slt.u32 s9, $0xF7A;
	s5 =	simm.s32 @!p2 $0x0  }
0x1d: {  	s5 =	simm.s32 @p1 $0x1;
	p0 =	seq.s32 s7, s2  }
0x1e: {  	s7 =	smul.u32 @!p0 $0xF7A, s2;
	p2 =	seq.s32 @!p0 s5, $0x0  }
0x1f: {  	s9 =	smul.u32 $0xF7A, s1;
	s8 =	simm.s32 @!p0 $0x1BF5;
	p2 =	por !p2, p0  }
0x20: {  	[sflag:s8] =	ssyncset.s32 @!p0 $0xFFFFF086;
	s6 =	sadd.s32 @!p0 s3, s7;
	s7 =	simm.s32 @!p0 $0x108  }
0x21: {  	s3 =	sadd.s32 s3, s9;
	s6 =	sadd.s32 @!p0 $0x88, s6;
	s7 =	simm.s32 @p2 $0x1082  }
0x22: {  	[simem:s7], [sflag:s8] =	dma.local @!p0 [hbm:s6], $0xF7A  }
0x23: {  	s9 =	sor.u32 $0xD0000000, s2;
	s6 =	simm.s32 $0x108;
	_ =	swait.ge @!p0 [sflag:s8], $0x0  }
0x24: {  	s3 =	sadd.s32 $0x88, s3;
	s6 =	simm.s32 @!p1 $0x1082;
	[sflag:s4] =	ssyncset.s32 $0xFFFFF086  }
0x25: {  	[simem:s6], [sflag:s4] =	dma.local [hbm:s3], $0xF7A  }
0x26: {  	[smem:$0x3F9C] =	sst s1;
	(tag) =	ssettag s2;
	_ =	strace s9  }
0x27: {  	s1 =	sld [smem:$0x3FAC]  }
0x28: {  	s2 =	sld [smem:$0x3FAD]  }
0x29: {  	s4 =	sld [smem:$0x3FAF]  }
0x2a: {  	p0 =	seq.s32 s5, $0x0;
	s5 =	sld [smem:$0x3FB0]  }
0x2b: {  	s6 =	sld [smem:$0x3FB1]  }
0x2c: {  	s7 =	sld [smem:$0x3FB2]  }
0x2d: {  	s3 =	simm.s32 $0x108;
	s8 =	sld [smem:$0x3FB3]  }
0x2e: {  	s3 =	simm.s32 @!p0 $0x1082;
	s9 =	sld [smem:$0x3FB4]  }
0x2f: {  	lr =	sadd.s32 s0, s3;
	s0 =	sld [smem:$0x3FAB]  }
0x30: {  	s3 =	sld [smem:$0x3FAE]  }
0x31: {  	[smem:$0x3FB7] =	sst s10  }
0x32: {  	s10 =	sld [smem:$0x3FB5];
	_ =	sdelay $0x3  }
0x33: {  	p0 =	seq.s32 s10, $0x1;
	s10 =	sld [smem:$0x3FB7];
	_ =	sdelay $0x3  }
0x34: {  	[smem:$0x3FB7] =	sst s10  }
0x35: {  	s10 =	sld [smem:$0x3FB6];
	_ =	sdelay $0x3  }
0x36: {  	p1 =	seq.s32 s10, $0x1;
	s10 =	sld [smem:$0x3FB7];
	_ =	sdelay $0x3  }
0x37: {  	[smem:$0x3FB7] =	sst s10  }
0x38: {  	s10 =	sld [smem:$0x3FB8]  }
0x39: {  	_ = 	snop;
	(pc) =	sbr.ind lr, $3  }
0x3a: {  	_ = 	snop  }
0x3b: {  	_ = 	snop  }
0x3c: {  	p2 =	seq.s32 s10, $0x1;
	s10 =	sld [smem:$0x3FB7]  }
0x3d: {  	_ =	shalt  }
0x3e: {  	_ =	shalt  }
0x3f: {  	_ =	shalt  }
0x40: {  	_ =	shalt  }
0x41: {  	_ =	shalt  }
0x42: {  	_ =	shalt  }
0x43: {  	_ =	shalt  }
0x44: {  	_ =	shalt  }
0x45: {  	_ =	shalt  }
0x46: {  	_ =	shalt  }
0x47: {  	_ =	shalt  }
0x48: {  	_ =	shalt  }
0x49: {  	_ =	shalt  }
0x4a: {  	_ =	shalt  }
0x4b: {  	_ =	shalt  }
0x4c: {  	_ =	shalt  }
0x4d: {  	_ =	shalt  }
0x4e: {  	_ =	shalt  }
0x4f: {  	_ =	shalt  }
0x50: {  	_ =	shalt  }
0x51: {  	_ =	shalt  }
0x52: {  	_ =	shalt  }
0x53: {  	_ =	shalt  }
0x54: {  	_ =	shalt  }
0x55: {  	_ =	shalt  }
0x56: {  	_ =	shalt  }
0x57: {  	_ =	shalt  }
0x58: {  	_ =	shalt  }
0x59: {  	_ =	shalt  }
0x5a: {  	_ =	shalt  }
0x5b: {  	_ =	shalt  }
0x5c: {  	_ =	shalt  }
0x5d: {  	_ =	shalt  }
0x5e: {  	_ =	shalt  }
0x5f: {  	_ =	shalt  }
0x60: {  	_ =	shalt  }
0x61: {  	_ =	shalt  }
0x62: {  	_ =	shalt  }
0x63: {  	_ =	shalt  }
0x64: {  	_ =	shalt  }
0x65: {  	_ =	shalt  }
0x66: {  	_ =	shalt  }
0x67: {  	_ =	shalt  }
0x68: {  	_ =	shalt  }
0x69: {  	_ =	shalt  }
0x6a: {  	_ =	shalt  }
0x6b: {  	_ =	shalt  }
0x6c: {  	_ =	shalt  }
0x6d: {  	_ =	shalt  }
0x6e: {  	_ =	shalt  }
0x6f: {  	_ =	shalt  }
0x70: {  	_ =	shalt  }
0x71: {  	_ =	shalt  }
0x72: {  	_ =	shalt  }
0x73: {  	_ =	shalt  }
0x74: {  	_ =	shalt  }
0x75: {  	_ =	shalt  }
0x76: {  	_ =	shalt  }
0x77: {  	_ =	shalt  }
0x78: {  	_ =	shalt  }
0x79: {  	_ =	shalt  }
0x7a: {  	_ =	shalt  }
0x7b: {  	_ =	shalt  }
0x7c: {  	_ =	shalt  }
0x7d: {  	_ =	shalt  }
0x7e: {  	_ =	shalt  }
0x7f: {  	_ =	shalt  }
0x80: {  	_ =	shalt  }
0x81: {  	_ =	shalt  }
0x82: {  	_ =	shalt  }
0x83: {  	_ =	shalt  }
0x84: {  	_ =	shalt  }
0x85: {  	_ =	shalt  }
0x86: {  	_ =	shalt  }
0x87: {  	_ =	shalt  }
.Lfunc_end0:
.L_simem_size_0:
called_computation_lowered:
.L_overlay_start_0:
0x88: {  	s2 =	sld [smem:$0x3FD9]  }
0x89: {  	s3 =	sld [smem:$0x3FFE];
	_ =	sdelay $0x1  }
0x8a: {  	s1 =	srdreg.scid  }
0x8b: {  	s0 =	sand.u32 $0x1, s1  }
0x8c: {  	s17 =	sshll.u32 s0, $0xA;
	s2 =	sadd.s32 s3, s2  }
0x8d: {  	s2 =	sadd.s32 s2, s17  }
0x8e: {  	[smem:$0x3FC3] =	sst s2  }
0x8f: {  	_ = 	snop  }
0x90: {  	s2 =	sld [smem:$0x3FD0];
	(tm) =	ssettm $0x1  }
0x91: {  	s18 =	sld [smem:$0x3FFB];
	_ =	sdelay $0x3  }
0x92: {  	_ =	strace s18  }
0x93: {  	s3 =	sld [smem:$0x3FFC];
	_ =	sdelay $0x3  }
0x94: {  	_ =	strace s3  }
0x95: {  	s3 =	sld [smem:$0x3FFD];
	_ =	sdelay $0x3  }
0x96: {  	_ =	strace s3  }
0x97: {  	_ =	strace $0x8FFFFFFF  }
0x98: {  	s19 =	sld [smem:$0x3FDB];
	_ =	sdelay $0x1  }
0x99: {  	s4 =	simm.s32 $_scs_section_size  }
0x9a: {  	s5 =	simm.s32 $_size__tile_overlayer_lowered;
	s6 =	simm.s32 $_tile_overlayer_lowered  }
0x9b: {  	s22 =	simm.s32 $0x1BFF;
	s21 =	sshll.u32 s6, $0x1;
	s3 =	sadd.s32 s4, s19  }
0x9c: {  	s7 =	simm.s32 $0x0;
	s20 =	sshll.u32 s5, $0x1;
	s5 =	sadd.s32 s21, s3  }
0x9d: {  	[timem:s7], [sflag:s22] =	dma.local [hbm:s5], s20  }
0x9e: {  	_ =	swait.ge [sflag:s22], s20  }
0x9f: {  	s4 =	ssub.s32 $0x0, s20;
	[sflag:s22] =	ssyncset.done $0x0  }
0xa0: {  	[sflag:s22] =	ssyncadd.s32 s4;
	_ =	sdelay $0x1  }
0xa1: {  	s23 =	simm.s32 $0x1B8B  }
0xa2: {  	_ =	swait.ge [sflag:s23], $0x1  }
0xa3: {  	[sflag:s23] =	ssyncset.done $0x0  }
0xa4: {  	s25 =	simm.s32 $0x1B8E;
	s24 =	sld [smem:$0x3FFE];
	[sflag:s23] =	ssyncadd.s32 $0xFFFFFFFF  }
0xa5: {  	s26 =	simm.s32 $execute0_lowered;
	[smem:$0x3FD2] =	sst s25  }
0xa6: {  	s5 =	sshll.u32 s26, $0x1;
	_ =	strace $0x80000046;
	[dreg:$0x1] =	wrdreg $0xFFFFFFFF  }
0xa7: {  	s28 =	simm.s32 $_size_execute0_lowered;
	s3 =	sadd.s32 s3, s5;
	[dreg:$0x0] =	wrdreg $0x0  }
0xa8: {  	s5 =	sshll.u32 s28, $0x1;
	[dreg:$0x2] =	wrdreg s3  }
0xa9: {  	[dreg:$0x3] =	wrdreg s5  }
0xaa: {  	[dreg:$0x4] =	wrdreg $0xC0  }
0xab: {  	_ =	task [dreg:s7], $0x5FFFF  }
0xac: {  	[dreg:$0x1] =	wrdreg $0xFFFFFFFF  }
0xad: {  	[dreg:$0x0] =	wrdreg $0x60  }
0xae: {  	[dreg:$0x2] =	wrdreg s2  }
0xaf: {  	[dreg:$0x3] =	wrdreg s24  }
0xb0: {  	[dreg:$0x4] =	wrdreg $0x9  }
0xb1: {  	_ =	task.clear_ibuf [dreg:s7], $0x5FFFF;
	_ =	strace $0x90000046  }
0xb2: {  	s29 =	simm.s32 $0x9;
	_ =	strace $0x80000048  }
0xb3: {  	_ =	swait.ge [sflag:s29], $0x1  }
0xb4: {  	[sflag:s29] =	ssyncadd.s32 $0xFFFFFFFF  }
0xb5: {  	_ =	strace $0x90000048  }
0xb6: {  	_ =	sfence  }
0xb7: {  	s30 =	sld [smem:$0x0];
	_ =	sdelay $0x2  }
0xb8: {  	s31 =	sshll.u32 s1, $0xD;
	s1 =	sshrl.u32 s1, $0x2  }
0xb9: {  	s3 =	sand.u32 $0x4000, s31;
	s1 =	sadd.s32 s1, s30  }
0xba: {  	s0 =	sor.u32 s3, s0;
	s1 =	sshll.u32 s1, $0x11  }
0xbb: {  	s0 =	sor.u32 s1, s0  }
0xbc: {  	s0 =	sadd.s32 $0x8F2B, s0  }
0xbd: {  	[sflag:s0] =	ssyncadd.remote.s32 $0x1  }
0xbe: {  	_ =	sfence.sel $0xFFFF  }
0xbf: {  	[dreg:$0x0] =	wrdreg $0xFFFFFFFF;
	(pc) =	sbr.abs _section_cstart, $3  }
0xc0: {  	[dreg:$0x1] =	wrdreg $0xFFFFFFFF  }
0xc1: {  	_ =	task.clear_ibuf [dreg:s7], $0x2FFFF;
	_ =	strace $0x9FFFFFFF  }
0xc2: {  	(tm) =	ssettm $0x7FFFFFFF  }
0xc3: {  	_ =	shalt  }
tec
execute0_lowered:
.L_overlay_start_1:
0x0: {  	(tag) =	ssettag $0x1  }
0x1: {  	s0 =	srdreg.scid;
	s2 =	rddreg [dreg:$0x0];
	s5 =	simm.s32 $0x100  }
0x2: {  	s3 =	rddreg [dreg:$0x1];
	s7 =	simm.s32 $0x1;
	s1 =	sshll.u32 s0, $0x4  }
0x3: {  	s8 =	simm.s32 $0x3;
	s0 =	stileid.u32;
	s1 =	sand.u32 $0x10, s1  }
0x4: {  	s10 =	simm.s32 $0x4;
	s11 =	simm.s32 $0x0;
	s1 =	sor.u32 s0, s1  }
0x5: {  	s12 =	simm.s32 $0xFFFFFE00;
	s4 =	smin.u32 s1, $0x8;
	p0 =	slt.u32 s1, $0x8  }
0x6: {  	s13 =	simm.s32 $0xFFFFFF00;
	s4 =	sshll.u32 s4, $0x8;
	s5 =	simm.s32 @!p0 $0x0  }
0x7: {  	s14 =	simm.s32 $0xFFFFFFFF;
	s18 =	simm.s32 $0x0;
	s5 =	sadd.s32 s5, s4  }
0x8: {  	s15 =	simm.s32 $0x0;
	s1 =	rddreg [dreg:$0x2];
	s5 =	smin.u32 s5, $0x800  }
.Ltmp0:
0x9: {  	_ =	strace $0x80000047;
	s9 =	ssub.s32 s5, s4;
	(pc) =	sbr.rel .LBB2_1-.Ltmp0, $4  }
0xa: {  	[sflag:s7] =	ssyncpa.u1 $0x0;
	s7 =	simm.s32 $0x2;
	p0 =	sgt.s32 s9, $0x0  }
0xb: {  	s17 =	simm.s32 $0x0;
	[sflag:s7] =	ssyncpa.u1 $0x0;
	s9 =	simm.s32 @!p0 $0x0  }
0xc: {  	s6 =	sadd.s32 $0x200, s3;
	[sflag:s8] =	ssyncpa.u1 $0x0;
	s9 =	sshrl.u32 s9, $0x8  }
0xd: {  	v0 =	vlaneseq.u32;
	vm0 =	vmmov $0xffff;
	s16 =	smov.u32 s4;
	[sflag:s10] =	ssyncpa.u1 $0x0;
	s10 =	sadd.s32 $0x2, s9  }
.LBB2_7:
0xe: {  	p0 =	slt.u32 s17, $0x3  }
0xf: {  	s18 =	simm.s32 @!p0 $0x4  }
0x10: {  	_ =	swait.ge @!p0 [sflag:s18], $0x80  }
0x11: {  	s19 =	sadd.s32 $0x100, s16;
	[sflag:s18] =	ssyncset.done @!p0 $0x0  }
0x12: {  	s20 =	smov.u32 s4;
	[sflag:s18] =	ssyncadd.s32 @!p0 $0xFFFFFF80;
	p0 =	slt.s32 s19, s5  }
0x13: {  	s20 =	smov.u32 @p0 s19;
	p0 =	sne.s32 s17, s10  }
.Ltmp1:
0x14: {  	_ = 	snop;
	(pc) =	sbr.rel @!p0 .LBB2_8-.Ltmp1, $4  }
0x15: {  	_ = 	snop  }
0x16: {  	s31 =	sadd.s32 $0x1, s17;
	s12 =	sadd.s32 $0x200, s12  }
0x17: {  	s13 =	sadd.s32 $0x100, s13;
	s14 =	sadd.s32 $0x1, s14;
	s18 =	smov.u32 s15  }
0x18: {  	s15 =	smov.u32 s16;
	s17 =	smov.u32 s31;
	s16 =	smov.u32 s20  }
.LBB2_1:
0x19: {  	p0 =	sge.u32 s17, s9  }
0x1a: {  	s19 =	smulhi.u32 @!p0 $0xAAAAAAAB, s17;
	_ =	sdelay $0x1  }
0x1b: {  	s19 =	sshrl.u32 @!p0 s19, $0x1  }
0x1c: {  	s19 =	smul.u32 @!p0 $0x3, s19;
	_ =	sdelay $0x1  }
0x1d: {  	s31 =	sadd.s32 $0xFFFFFFFF, s17;
	s20 =	sshrl.u32 @!p0 s16, $0x3;
	s19 =	ssub.s32 @!p0 s17, s19  }
0x1e: {  	s21 =	sand.u32 @!p0 $0x7, s16;
	s20 =	sadd.s32 @!p0 s3, s20;
	s19 =	sshll.u32 @!p0 s19, $0x8  }
0x1f: {  	[tilespmem:s19], [sflag:$0x2] =	stream.linear.gather @!p0 [hbm4b:s20+s21], $0x100, $0x38;
	[tilespmem:$0x600] =	vst v63  }
0x20: {  	p0 =	sge.u32 s31, s9  }
.Ltmp2:
0x21: {  	_ = 	snop;
	(pc) =	sbr.rel @p0 .LBB2_5-.Ltmp2, $1  }
0x22: {  	_ =	sdelay $0x3  }
0x23: {  	s19 =	smulhi.u32 $0xAAAAAAAB, s14;
	_ =	sdelay $0x1  }
0x24: {  	s19 =	sshrl.u32 s19, $0x1  }
0x25: {  	s19 =	smul.u32 $0xFFFFF400, s19;
	_ =	sdelay $0x1  }
0x26: {  	_ =	swait.ge [sflag:s7], $0x100;
	s19 =	sshra.s32 s19, $0x2  }
0x27: {  	[sflag:s7] =	ssyncset.done $0x0;
	s21 =	sadd.s32 s19, s13  }
0x28: {  	[sflag:s7] =	ssyncadd.s32 $0xFFFFFF00;
	(ifvalue) =	ssetifvalue $0x7FFFFFFF;
	v1 =	vld.msk [tilespmem:s21+$0x0 ss:$0x1], $0xffff;
	_ =	sdelay $0x1  }
0x29: {  	s19 =	sadd.s32 $0x10, s21  }
0x2a: {  	v3 =	vld.msk [tilespmem:s19+$0x0 ss:$0x1], $0xffff;
	_ =	sdelay $0x1  }
0x2b: {  	s22 =	ssub.s32 $0x800, s15;
	v2 =	vshrl.u32 v1, $0xB  }
0x2c: {  	p0 =	slt.s32 s22, $0x100;
	vm1 =	veq.s32 v1, $0x80000000;
	v1 =	vand.u32 $0x7FF, v1;
	v2 =	vand.u32 $0x3F, v2  }
0x2d: {  	s22 =	simm.s32 @!p0 $0x100;
	v1 =	vsel vm1, $0xFFFFFFFF, v1;
	v2 =	vsel vm1, $0xFFFFFFFF, v2  }
0x2e: {  	p0 =	sgt.s32 s22, $0x0;
	s20 =	smov.u32 s22;
	vm2 =	veq.s32 v3, $0x80000000;
	v5 =	vshll.u32 v1, $0x3;
	v4 =	vshll.u32 v2, $0xB  }
0x2f: {  	s20 =	simm.s32 @!p0 $0x0;
	v5 =	vand.u32 $0xFFFFFC00, v5;
	v6 =	vshll.u32 v2, $0x7;
	v4 =	vand.u32 $0xFFFFC000, v4  }
0x30: {  	s20 =	smin.u32 s20, $0x10;
	v1 =	vshll.u32 v1, $0x1;
	v4 =	vadd.s32 v5, v4;
	v5 =	vand.u32 $0x300, v6  }
0x31: {  	v1 =	vand.u32 $0xFE, v1;
	v6 =	vmov s20;
	v4 =	vor.u32 v5, v4  }
0x32: {  	vm1 =	vgt.u32 v6, v0;
	v1 =	vor.u32 v1, v4;
	v4 =	vshrl.u32 v3, $0xB  }
0x33: {  	v3 =	vand.u32 $0x7FF, v3;
	v1 =	vshrl.u32 v1, $0x1;
	v4 =	vand.u32 $0x3F, v4  }
0x34: {  	s22 =	sadd.s32 $0xFFFFFFF0, s22;
	s20 =	sadd.s32 $0x10, s19;
	v3 =	vsel vm2, $0xFFFFFFFF, v3;
	v5 =	vnsel vm1, $0x7FFFFFFF, v1;
	v1 =	vsel vm2, $0xFFFFFFFF, v4  }
0x35: {  	p0 =	sgt.s32 s22, $0x0;
	s23 =	smov.u32 s22;
	v2 =	vand.u32 $0x1, v2;
	v4 =	vld.msk [tilespmem:s20+$0x0 ss:$0x1], $0xffff;
	v7 =	vshll.u32 v3, $0x3;
	v6 =	vshll.u32 v1, $0xB  }
0x36: {  	s23 =	simm.s32 @!p0 $0x0;
	v7 =	vand.u32 $0xFFFFFC00, v7;
	v8 =	vshll.u32 v1, $0x7;
	v6 =	vand.u32 $0xFFFFC000, v6  }
0x37: {  	s24 =	sshrl.u32 s12, $0x1;
	s23 =	smin.u32 s23, $0x10;
	v3 =	vshll.u32 v3, $0x1;
	v6 =	vadd.s32 v7, v6;
	v7 =	vand.u32 $0x300, v8  }
0x38: {  	s24 =	sand.u32 $0x100, s24;
	[tilespmem:s21+$0x0] =	vst v2;
	v2 =	vmov s23;
	v3 =	vand.u32 $0xFE, v3;
	v6 =	vor.u32 v7, v6  }
0x39: {  	s21 =	sadd.s32 $0x300, s24;
	(ifvalue) =	ssetifvalue $0x7FFFFFFF;
	vm2 =	vgt.u32 v2, v0;
	v2 =	vor.u32 v3, v6  }
0x3a: {  	[tilespmem:s21], [sflag:$0x3] =	stream.indirect_vreg.gather [hbm4b:s2+s11], $0x1, v5, vm0, $0x4038;
	vm1 =	veq.s32 v4, $0x80000000;
	v5 =	vshrl.u32 v4, $0xB;
	v2 =	vshrl.u32 v2, $0x1;
	[tilespmem:$0x600] =	vst v63  }
0x3b: {  	s23 =	simm.s32 $0x20;
	s24 =	sadd.s32 $0x10, s20;
	v3 =	vand.u32 $0x7FF, v4;
	v4 =	vand.u32 $0x3F, v5;
	v2 =	vnsel vm2, $0x7FFFFFFF, v2  }
.LBB2_3:
0x3c: {  	v5 =	vld.msk [tilespmem:s24+$0x0 ss:$0x1], $0xffff;
	s23 =	sadd.s32 $0x10, s23;
	v3 =	vsel vm1, $0xFFFFFFFF, v3;
	v4 =	vsel vm1, $0xFFFFFFFF, v4;
	s22 =	sadd.s32 $0xFFFFFFF0, s22  }
0x3d: {  	v8 =	vand.u32 $0x1, v1;
	p0 =	slt.u32 s23, $0xF0;
	p1 =	sgt.s32 s22, $0x0;
	v6 =	vshll.u32 v4, $0xB;
	v7 =	vshll.u32 v3, $0x3;
	v1 =	vmovc v4;
	s25 =	smov.u32 s22  }
0x3e: {  	s21 =	sadd.s32 $0x10, s21;
	s25 =	simm.s32 @!p1 $0x0;
	v4 =	vand.u32 $0xFFFFC000, v6;
	v6 =	vand.u32 $0xFFFFFC00, v7;
	v7 =	vshll.u32 v1, $0x7  }
.Ltmp3:
0x3f: {  	v3 =	vshll.u32 v3, $0x1;
	s25 =	smin.u32 s25, $0x10;
	v4 =	vadd.s32 v6, v4;
	v6 =	vand.u32 $0x300, v7;
	[tilespmem:s19+$0x0] =	vst v8;
	(ifvalue) =	ssetifvalue $0x7FFFFFFF;
	(pc) =	sbr.rel @p0 .LBB2_3-.Ltmp3, $4  }
0x40: {  	v3 =	vand.u32 $0xFE, v3;
	v7 =	vmov s25;
	v4 =	vor.u32 v6, v4;
	[tilespmem:s21], [sflag:$0x3] =	stream.indirect_vreg.gather [hbm4b:s2+s11], $0x1, v2, vm0, $0x4038;
	[tilespmem:$0x600] =	vst v63  }
0x41: {  	s19 =	smov.u32 s20;
	s20 =	smov.u32 s24;
	vm2 =	vgt.u32 v7, v0;
	v2 =	vor.u32 v3, v4  }
0x42: {  	vm1 =	veq.s32 v5, $0x80000000;
	v4 =	vshrl.u32 v5, $0xB;
	v2 =	vshrl.u32 v2, $0x1  }
0x43: {  	s24 =	sadd.s32 $0x10, s24;
	v3 =	vand.u32 $0x7FF, v5;
	v4 =	vand.u32 $0x3F, v4;
	v2 =	vnsel vm2, $0x7FFFFFFF, v2  }
0x44: {  	v3 =	vsel vm1, $0xFFFFFFFF, v3;
	v4 =	vsel vm1, $0xFFFFFFFF, v4  }
0x45: {  	s22 =	sadd.s32 $0xFFFFFFF0, s22;
	v5 =	vshll.u32 v4, $0xB;
	v6 =	vshll.u32 v3, $0x3  }
0x46: {  	p0 =	sgt.s32 s22, $0x0;
	v7 =	vshll.u32 v4, $0x7;
	v5 =	vand.u32 $0xFFFFC000, v5;
	v6 =	vand.u32 $0xFFFFFC00, v6  }
0x47: {  	v3 =	vshll.u32 v3, $0x1;
	s22 =	simm.s32 @!p0 $0x0;
	v62 =	vand.u32 $0x300, v7;
	v5 =	vadd.s32 v6, v5  }
0x48: {  	v3 =	vand.u32 $0xFE, v3;
	s22 =	smin.u32 s22, $0x10;
	v5 =	vor.u32 v62, v5  }
0x49: {  	v63 =	vmov s22;
	v3 =	vor.u32 v3, v5  }
0x4a: {  	vm1 =	vgt.u32 v63, v0;
	v3 =	vshrl.u32 v3, $0x1  }
0x4b: {  	v3 =	vnsel vm1, $0x7FFFFFFF, v3  }
0x4c: {  	v1 =	vand.u32 $0x1, v1  }
0x4d: {  	s31 =	sadd.s32 $0x10, s21;
	[tilespmem:s19+$0x0] =	vst v1;
	(ifvalue) =	ssetifvalue $0x7FFFFFFF  }
0x4e: {  	v1 =	vand.u32 $0x1, v4;
	[tilespmem:s31], [sflag:$0x3] =	stream.indirect_vreg.gather [hbm4b:s2+s11], $0x1, v2, vm0, $0x4038;
	[tilespmem:$0x600] =	vst v63  }
0x4f: {  	s19 =	sadd.s32 $0x10, s31;
	[tilespmem:s20+$0x0] =	vst v1;
	(ifvalue) =	ssetifvalue $0x7FFFFFFF  }
0x50: {  	[tilespmem:s19], [sflag:$0x3] =	stream.indirect_vreg.gather [hbm4b:s2+s11], $0x1, v3, vm0, $0x4038;
	[tilespmem:$0x600] =	vst v63  }
.LBB2_5:
0x51: {  	p0 =	slt.u32 s17, $0x2  }
0x52: {  	p1 =	sge.u32 @!p0 s17, s10  }
0x53: {  	p0 =	por p0, p1  }
.Ltmp4:
0x54: {  	_ = 	snop;
	(pc) =	sbr.rel @p0 .LBB2_7-.Ltmp4, $1  }
0x55: {  	_ =	sdelay $0x3  }
0x56: {  	s19 =	sadd.s32 $0xFFFFFFFE, s17  }
0x57: {  	s20 =	smulhi.u32 $0xAAAAAAAB, s19;
	_ =	sdelay $0x1  }
0x58: {  	s20 =	sshrl.u32 s20, $0x1  }
0x59: {  	_ =	swait.ge [sflag:s8], $0x100;
	s20 =	smul.u32 $0x3, s20  }
0x5a: {  	s22 =	sand.u32 $0x1, s17;
	[sflag:s8] =	ssyncset.done $0x0  }
0x5b: {  	s26 =	sshll.u32 s22, $0x8;
	[sflag:s8] =	ssyncadd.s32 $0xFFFFFF00;
	s20 =	ssub.s32 s19, s20  }
0x5c: {  	v1 =	vld [tilespmem:s26+$0x300];
	s21 =	sshll.u32 s20, $0x8  }
0x5d: {  	v2 =	vld [tilespmem:s21+$0x0]  }
0x5e: {  	v3 =	vld [tilespmem:s21+$0x80]  }
0x5f: {  	v4 =	vld [tilespmem:s26+$0x380];
	_ =	sdelay $0x3  }
0x60: {  	v2 =	vshll.u32 v2, $0x4;
	v3 =	vshll.u32 v3, $0x4  }
0x61: {  	v1 =	vshrl.u32 v1, v2;
	v2 =	vshrl.u32 v4, v3  }
0x62: {  	v1 =	vand.u32 $0xFFFF, v1;
	v2 =	vshll.u32 v2, $0x10  }
0x63: {  	s28 =	sshll.u32 s22, $0x7;
	v1 =	vor.u32 v1, v2  }
0x64: {  	[tilespmem:s28+$0x500] =	vst v1  }
0x65: {  	v1 =	vld [tilespmem:s26+$0x310]  }
0x66: {  	v2 =	vld [tilespmem:s21+$0x10]  }
0x67: {  	v3 =	vld [tilespmem:s21+$0x90]  }
0x68: {  	v57 =	vld [tilespmem:s26+$0x390];
	_ =	sdelay $0x3  }
0x69: {  	v2 =	vshll.u32 v2, $0x4;
	v3 =	vshll.u32 v3, $0x4  }
0x6a: {  	v1 =	vshrl.u32 v1, v2;
	v2 =	vshrl.u32 v57, v3  }
0x6b: {  	v1 =	vand.u32 $0xFFFF, v1;
	v2 =	vshll.u32 v2, $0x10  }
0x6c: {  	v1 =	vor.u32 v1, v2  }
0x6d: {  	[tilespmem:s28+$0x510] =	vst v1  }
0x6e: {  	v1 =	vld [tilespmem:s26+$0x320]  }
0x6f: {  	v2 =	vld [tilespmem:s21+$0x20]  }
0x70: {  	v3 =	vld [tilespmem:s21+$0xA0]  }
0x71: {  	v58 =	vld [tilespmem:s26+$0x3A0];
	_ =	sdelay $0x3  }
0x72: {  	v2 =	vshll.u32 v2, $0x4;
	v3 =	vshll.u32 v3, $0x4  }
0x73: {  	v1 =	vshrl.u32 v1, v2;
	v2 =	vshrl.u32 v58, v3  }
0x74: {  	v1 =	vand.u32 $0xFFFF, v1;
	v2 =	vshll.u32 v2, $0x10  }
0x75: {  	v1 =	vor.u32 v1, v2  }
0x76: {  	[tilespmem:s28+$0x520] =	vst v1  }
0x77: {  	v1 =	vld [tilespmem:s26+$0x330]  }
0x78: {  	v2 =	vld [tilespmem:s21+$0x30]  }
0x79: {  	v3 =	vld [tilespmem:s21+$0xB0]  }
0x7a: {  	v59 =	vld [tilespmem:s26+$0x3B0];
	_ =	sdelay $0x3  }
0x7b: {  	v2 =	vshll.u32 v2, $0x4;
	v3 =	vshll.u32 v3, $0x4  }
0x7c: {  	v1 =	vshrl.u32 v1, v2;
	v2 =	vshrl.u32 v59, v3  }
0x7d: {  	v1 =	vand.u32 $0xFFFF, v1;
	v2 =	vshll.u32 v2, $0x10  }
0x7e: {  	v1 =	vor.u32 v1, v2  }
0x7f: {  	[tilespmem:s28+$0x530] =	vst v1  }
0x80: {  	v1 =	vld [tilespmem:s26+$0x340]  }
0x81: {  	v2 =	vld [tilespmem:s21+$0x40]  }
0x82: {  	v3 =	vld [tilespmem:s21+$0xC0]  }
0x83: {  	v60 =	vld [tilespmem:s26+$0x3C0];
	_ =	sdelay $0x3  }
0x84: {  	v2 =	vshll.u32 v2, $0x4;
	v3 =	vshll.u32 v3, $0x4  }
0x85: {  	v1 =	vshrl.u32 v1, v2;
	v2 =	vshrl.u32 v60, v3  }
0x86: {  	v1 =	vand.u32 $0xFFFF, v1;
	v2 =	vshll.u32 v2, $0x10  }
0x87: {  	v1 =	vor.u32 v1, v2  }
0x88: {  	[tilespmem:s28+$0x540] =	vst v1  }
0x89: {  	v1 =	vld [tilespmem:s26+$0x350]  }
0x8a: {  	v2 =	vld [tilespmem:s21+$0x50]  }
0x8b: {  	v3 =	vld [tilespmem:s21+$0xD0]  }
0x8c: {  	v61 =	vld [tilespmem:s26+$0x3D0];
	_ =	sdelay $0x3  }
0x8d: {  	v2 =	vshll.u32 v2, $0x4;
	v3 =	vshll.u32 v3, $0x4  }
0x8e: {  	v1 =	vshrl.u32 v1, v2;
	v2 =	vshrl.u32 v61, v3  }
0x8f: {  	v1 =	vand.u32 $0xFFFF, v1;
	v2 =	vshll.u32 v2, $0x10  }
0x90: {  	v1 =	vor.u32 v1, v2  }
0x91: {  	[tilespmem:s28+$0x550] =	vst v1  }
0x92: {  	v1 =	vld [tilespmem:s26+$0x360]  }
0x93: {  	v2 =	vld [tilespmem:s21+$0x60]  }
0x94: {  	v3 =	vld [tilespmem:s21+$0xE0]  }
0x95: {  	v62 =	vld [tilespmem:s26+$0x3E0];
	_ =	sdelay $0x3  }
0x96: {  	v2 =	vshll.u32 v2, $0x4;
	v3 =	vshll.u32 v3, $0x4  }
0x97: {  	v1 =	vshrl.u32 v1, v2;
	v2 =	vshrl.u32 v62, v3  }
0x98: {  	v1 =	vand.u32 $0xFFFF, v1;
	v2 =	vshll.u32 v2, $0x10  }
0x99: {  	v1 =	vor.u32 v1, v2  }
0x9a: {  	[tilespmem:s28+$0x560] =	vst v1  }
0x9b: {  	v1 =	vld [tilespmem:s26+$0x370]  }
0x9c: {  	v2 =	vld [tilespmem:s21+$0x70]  }
0x9d: {  	v3 =	vld [tilespmem:s21+$0xF0]  }
0x9e: {  	v63 =	vld [tilespmem:s26+$0x3F0];
	_ =	sdelay $0x3  }
0x9f: {  	v2 =	vshll.u32 v2, $0x4;
	v3 =	vshll.u32 v3, $0x4  }
.Ltmp5:
0xa0: {  	v1 =	vshrl.u32 v1, v2;
	v2 =	vshrl.u32 v63, v3;
	(pc) =	sbr.rel .LBB2_7-.Ltmp5, $4  }
0xa1: {  	v1 =	vand.u32 $0xFFFF, v1;
	v2 =	vshll.u32 v2, $0x10  }
0xa2: {  	s29 =	sshrl.u32 s18, $0x1;
	s30 =	sshrl.u32 s18, $0x4;
	v1 =	vor.u32 v1, v2  }
0xa3: {  	s18 =	sadd.s32 s6, s30;
	s31 =	sor.u32 $0x500, s28;
	s19 =	sand.u32 $0x7, s29;
	[tilespmem:s28+$0x570] =	vst v1  }
0xa4: {  	[hbm4b:s18+s19] =	stream.linear.scatter [tilespmem:s31], [sflag:$0x4], $0x80, $0x38;
	[tilespmem:$0x600] =	vst v63  }
.LBB2_8:
0xa5: {  	_ =	sfence.sel $0x180000  }
0xa6: {  	s2 =	simm.s32 $0x2;
	[bflag:$0x0] =	sbarrier.arrive $0xFFFF  }
0xa7: {  	s29 =	simm.s32 $0x3;
	[sflag:s2] =	ssyncpa.u1 $0x1  }
0xa8: {  	s30 =	simm.s32 $0x4;
	[sflag:s29] =	ssyncpa.u1 $0x1  }
0xa9: {  	s31 =	simm.s32 $0x1;
	[sflag:s30] =	ssyncpa.u1 $0x1  }
0xaa: {  	[sflag:s31] =	ssyncpa.u1 $0x1  }
0xab: {  	p0 =	sne.s32 s0, $0x0;
	_ =	strace $0x90000047  }
0xac: {  	s0 =	sadd.s32 @!p0 $0x100000, s1;
	[bflag:$0x2] =	sbarrier.arrive $0xFFFF  }
0xad: {  	[sflag:s0] =	ssyncadd.tile.s32 @!p0 $0x1;
	_ =	shalt  }
.Lfunc_end2:
_tile_overlayer_lowered:
.L_overlay_start_2:
0xae: {  	(tag) =	ssettag $0x2  }
0xaf: {  	s0 =	rddreg [dreg:$0x0];
	s2 =	stileid.u32  }
0xb0: {  	s1 =	rddreg [dreg:$0x1];
	p0 =	sne.s32 s2, $0x0  }
0xb1: {  	s3 =	rddreg [dreg:$0x2];
	[bflag:$0x3] =	sbarrier.arrive $0xFFFF;
	s2 =	simm.s32 @!p0 $0x1C01  }
0xb2: {  	[timem:s3], [sflag:s2] =	dma.local @!p0 [hbm:s0], s1  }
0xb3: {  	s0 =	simm.s32 @!p0 $0x1  }
0xb4: {  	_ =	swait.ge @!p0 [sflag:s0], s1  }
0xb5: {  	s1 =	ssub.s32 @!p0 $0x0, s1;
	[sflag:s0] =	ssyncset.done @!p0 $0x0  }
0xb6: {  	[sflag:s0] =	ssyncadd.s32 @!p0 s1  }
0xb7: {  	[bflag:$0x3] =	sbarrier.arrive $0xFFFF  }
0xb8: {  	_ =	shalt  }

// kernel: kernel.10.cloned.1.call-start
scs
__scs_entry_jumppad:
0x0: {  	(pc) =	sbr.rel $0x88, $3  }
0x1: {  	(tag) =	ssettag $0x0;
	lr =	simm.s32 $0x1  }
0x2: {  	[smem:$0x3F9C] =	sst lr;
	_ =	strace $0xD0000000  }
0x3: {  	_ = 	snop  }
0x4: {  	_ = 	snop  }
0x5: {  	_ = 	snop  }
0x6: {  	_ = 	snop  }
0x7: {  	_ = 	snop  }
__scs_overlays_trampoline_lowered:
0x8: {  	[smem:$0x3FAB] =	sst s0  }
0x9: {  	[smem:$0x3FAC] =	sst s1  }
0xa: {  	[smem:$0x3FAD] =	sst s2  }
0xb: {  	[smem:$0x3FAE] =	sst s3  }
0xc: {  	[smem:$0x3FAF] =	sst s4  }
0xd: {  	[smem:$0x3FB0] =	sst s5  }
0xe: {  	[smem:$0x3FB1] =	sst s6  }
0xf: {  	[smem:$0x3FB2] =	sst s7  }
0x10: {  	[smem:$0x3FB3] =	sst s8  }
0x11: {  	[smem:$0x3FB4] =	sst s9;
	s0 =	simm.s32 @!p0 $0x0  }
0x12: {  	s1 =	sld [smem:$0x3F9A];
	s0 =	simm.s32 @p0 $0x1  }
0x13: {  	[smem:$0x3FB5] =	sst s0;
	s0 =	simm.s32 @!p1 $0x0  }
0x14: {  	s2 =	sld [smem:$0x3F99];
	s0 =	simm.s32 @p1 $0x1  }
0x15: {  	[smem:$0x3FB6] =	sst s0;
	s0 =	simm.s32 @!p2 $0x0  }
0x16: {  	s3 =	sld [smem:$0x3FDB];
	s0 =	simm.s32 @p2 $0x1  }
0x17: {  	s4 =	simm.s32 $0x1BF5;
	[smem:$0x3FB8] =	sst s0  }
0x18: {  	s0 =	sld [smem:$0x3F9B];
	_ =	swait.ge [sflag:s4], $0x0  }
0x19: {  	s7 =	sld [smem:$0x3F9C]  }
0x1a: {  	s8 =	sadd.s32 $0xFFFFE003, lr  }
0x1b: {  	s9 =	sadd.s32 $0xFFFFFEF7, lr;
	s5 =	simm.s32 $0xFFFFFFFF;
	p2 =	slt.u32 s8, $0xFFFFF086  }
0x1c: {  	p1 =	slt.u32 s9, $0xF7A;
	s5 =	simm.s32 @!p2 $0x0  }
0x1d: {  	s5 =	simm.s32 @p1 $0x1;
	p0 =	seq.s32 s7, s2  }
0x1e: {  	s7 =	smul.u32 @!p0 $0xF7A, s2;
	p2 =	seq.s32 @!p0 s5, $0x0  }
0x1f: {  	s9 =	smul.u32 $0xF7A, s1;
	s8 =	simm.s32 @!p0 $0x1BF5;
	p2 =	por !p2, p0  }
0x20: {  	[sflag:s8] =	ssyncset.s32 @!p0 $0xFFFFF086;
	s6 =	sadd.s32 @!p0 s3, s7;
	s7 =	simm.s32 @!p0 $0x108  }
0x21: {  	s3 =	sadd.s32 s3, s9;
	s6 =	sadd.s32 @!p0 $0x88, s6;
	s7 =	simm.s32 @p2 $0x1082  }
0x22: {  	[simem:s7], [sflag:s8] =	dma.local @!p0 [hbm:s6], $0xF7A  }
0x23: {  	s9 =	sor.u32 $0xD0000000, s2;
	s6 =	simm.s32 $0x108;
	_ =	swait.ge @!p0 [sflag:s8], $0x0  }
0x24: {  	s3 =	sadd.s32 $0x88, s3;
	s6 =	simm.s32 @!p1 $0x1082;
	[sflag:s4] =	ssyncset.s32 $0xFFFFF086  }
0x25: {  	[simem:s6], [sflag:s4] =	dma.local [hbm:s3], $0xF7A  }
0x26: {  	[smem:$0x3F9C] =	sst s1;
	(tag) =	ssettag s2;
	_ =	strace s9  }
0x27: {  	s1 =	sld [smem:$0x3FAC]  }
0x28: {  	s2 =	sld [smem:$0x3FAD]  }
0x29: {  	s4 =	sld [smem:$0x3FAF]  }
0x2a: {  	p0 =	seq.s32 s5, $0x0;
	s5 =	sld [smem:$0x3FB0]  }
0x2b: {  	s6 =	sld [smem:$0x3FB1]  }
0x2c: {  	s7 =	sld [smem:$0x3FB2]  }
0x2d: {  	s3 =	simm.s32 $0x108;
	s8 =	sld [smem:$0x3FB3]  }
0x2e: {  	s3 =	simm.s32 @!p0 $0x1082;
	s9 =	sld [smem:$0x3FB4]  }
0x2f: {  	lr =	sadd.s32 s0, s3;
	s0 =	sld [smem:$0x3FAB]  }
0x30: {  	s3 =	sld [smem:$0x3FAE]  }
0x31: {  	[smem:$0x3FB7] =	sst s10  }
0x32: {  	s10 =	sld [smem:$0x3FB5];
	_ =	sdelay $0x3  }
0x33: {  	p0 =	seq.s32 s10, $0x1;
	s10 =	sld [smem:$0x3FB7];
	_ =	sdelay $0x3  }
0x34: {  	[smem:$0x3FB7] =	sst s10  }
0x35: {  	s10 =	sld [smem:$0x3FB6];
	_ =	sdelay $0x3  }
0x36: {  	p1 =	seq.s32 s10, $0x1;
	s10 =	sld [smem:$0x3FB7];
	_ =	sdelay $0x3  }
0x37: {  	[smem:$0x3FB7] =	sst s10  }
0x38: {  	s10 =	sld [smem:$0x3FB8]  }
0x39: {  	_ = 	snop;
	(pc) =	sbr.ind lr, $3  }
0x3a: {  	_ = 	snop  }
0x3b: {  	_ = 	snop  }
0x3c: {  	p2 =	seq.s32 s10, $0x1;
	s10 =	sld [smem:$0x3FB7]  }
0x3d: {  	_ =	shalt  }
0x3e: {  	_ =	shalt  }
0x3f: {  	_ =	shalt  }
0x40: {  	_ =	shalt  }
0x41: {  	_ =	shalt  }
0x42: {  	_ =	shalt  }
0x43: {  	_ =	shalt  }
0x44: {  	_ =	shalt  }
0x45: {  	_ =	shalt  }
0x46: {  	_ =	shalt  }
0x47: {  	_ =	shalt  }
0x48: {  	_ =	shalt  }
0x49: {  	_ =	shalt  }
0x4a: {  	_ =	shalt  }
0x4b: {  	_ =	shalt  }
0x4c: {  	_ =	shalt  }
0x4d: {  	_ =	shalt  }
0x4e: {  	_ =	shalt  }
0x4f: {  	_ =	shalt  }
0x50: {  	_ =	shalt  }
0x51: {  	_ =	shalt  }
0x52: {  	_ =	shalt  }
0x53: {  	_ =	shalt  }
0x54: {  	_ =	shalt  }
0x55: {  	_ =	shalt  }
0x56: {  	_ =	shalt  }
0x57: {  	_ =	shalt  }
0x58: {  	_ =	shalt  }
0x59: {  	_ =	shalt  }
0x5a: {  	_ =	shalt  }
0x5b: {  	_ =	shalt  }
0x5c: {  	_ =	shalt  }
0x5d: {  	_ =	shalt  }
0x5e: {  	_ =	shalt  }
0x5f: {  	_ =	shalt  }
0x60: {  	_ =	shalt  }
0x61: {  	_ =	shalt  }
0x62: {  	_ =	shalt  }
0x63: {  	_ =	shalt  }
0x64: {  	_ =	shalt  }
0x65: {  	_ =	shalt  }
0x66: {  	_ =	shalt  }
0x67: {  	_ =	shalt  }
0x68: {  	_ =	shalt  }
0x69: {  	_ =	shalt  }
0x6a: {  	_ =	shalt  }
0x6b: {  	_ =	shalt  }
0x6c: {  	_ =	shalt  }
0x6d: {  	_ =	shalt  }
0x6e: {  	_ =	shalt  }
0x6f: {  	_ =	shalt  }
0x70: {  	_ =	shalt  }
0x71: {  	_ =	shalt  }
0x72: {  	_ =	shalt  }
0x73: {  	_ =	shalt  }
0x74: {  	_ =	shalt  }
0x75: {  	_ =	shalt  }
0x76: {  	_ =	shalt  }
0x77: {  	_ =	shalt  }
0x78: {  	_ =	shalt  }
0x79: {  	_ =	shalt  }
0x7a: {  	_ =	shalt  }
0x7b: {  	_ =	shalt  }
0x7c: {  	_ =	shalt  }
0x7d: {  	_ =	shalt  }
0x7e: {  	_ =	shalt  }
0x7f: {  	_ =	shalt  }
0x80: {  	_ =	shalt  }
0x81: {  	_ =	shalt  }
0x82: {  	_ =	shalt  }
0x83: {  	_ =	shalt  }
0x84: {  	_ =	shalt  }
0x85: {  	_ =	shalt  }
0x86: {  	_ =	shalt  }
0x87: {  	_ =	shalt  }
.Lfunc_end0:
.L_simem_size_0:
called_computation.2_lowered:
.L_overlay_start_0:
0x88: {  	s2 =	sld [smem:$0x3FD9]  }
0x89: {  	s3 =	sld [smem:$0x3FFE];
	_ =	sdelay $0x1  }
0x8a: {  	s1 =	srdreg.scid  }
0x8b: {  	s0 =	sand.u32 $0x1, s1  }
0x8c: {  	s17 =	sshll.u32 s0, $0xA;
	s2 =	sadd.s32 s3, s2  }
0x8d: {  	s2 =	sadd.s32 s2, s17  }
0x8e: {  	[smem:$0x3FC3] =	sst s2  }
0x8f: {  	_ = 	snop  }
0x90: {  	s2 =	sld [smem:$0x3FD0];
	(tm) =	ssettm $0x1  }
0x91: {  	s18 =	sld [smem:$0x3FFB];
	_ =	sdelay $0x3  }
0x92: {  	_ =	strace s18  }
0x93: {  	s3 =	sld [smem:$0x3FFC];
	_ =	sdelay $0x3  }
0x94: {  	_ =	strace s3  }
0x95: {  	s3 =	sld [smem:$0x3FFD];
	_ =	sdelay $0x3  }
0x96: {  	_ =	strace s3  }
0x97: {  	_ =	strace $0x8FFFFFFF  }
0x98: {  	s19 =	sld [smem:$0x3FDB];
	_ =	sdelay $0x1  }
0x99: {  	s4 =	simm.s32 $_scs_section_size  }
0x9a: {  	s5 =	simm.s32 $_size__tile_overlayer_lowered;
	s6 =	simm.s32 $_tile_overlayer_lowered  }
0x9b: {  	s22 =	simm.s32 $0x1BFF;
	s21 =	sshll.u32 s6, $0x1;
	s3 =	sadd.s32 s4, s19  }
0x9c: {  	s7 =	simm.s32 $0x0;
	s20 =	sshll.u32 s5, $0x1;
	s5 =	sadd.s32 s21, s3  }
0x9d: {  	[timem:s7], [sflag:s22] =	dma.local [hbm:s5], s20  }
0x9e: {  	_ =	swait.ge [sflag:s22], s20  }
0x9f: {  	s4 =	ssub.s32 $0x0, s20;
	[sflag:s22] =	ssyncset.done $0x0  }
0xa0: {  	[sflag:s22] =	ssyncadd.s32 s4;
	_ =	sdelay $0x1  }
0xa1: {  	s23 =	simm.s32 $0x1B8B  }
0xa2: {  	_ =	swait.ge [sflag:s23], $0x1  }
0xa3: {  	[sflag:s23] =	ssyncset.done $0x0  }
0xa4: {  	s25 =	simm.s32 $0x1B8E;
	s24 =	sld [smem:$0x3FFE];
	[sflag:s23] =	ssyncadd.s32 $0xFFFFFFFF  }
0xa5: {  	s26 =	simm.s32 $execute0_lowered;
	[smem:$0x3FD2] =	sst s25  }
0xa6: {  	s5 =	sshll.u32 s26, $0x1;
	_ =	strace $0x8000004C;
	[dreg:$0x1] =	wrdreg $0xFFFFFFFF  }
0xa7: {  	s28 =	simm.s32 $_size_execute0_lowered;
	s3 =	sadd.s32 s3, s5;
	[dreg:$0x0] =	wrdreg $0x0  }
0xa8: {  	s5 =	sshll.u32 s28, $0x1;
	[dreg:$0x2] =	wrdreg s3  }
0xa9: {  	[dreg:$0x3] =	wrdreg s5  }
0xaa: {  	[dreg:$0x4] =	wrdreg $0xC0  }
0xab: {  	_ =	task [dreg:s7], $0x5FFFF  }
0xac: {  	[dreg:$0x1] =	wrdreg $0xFFFFFFFF  }
0xad: {  	[dreg:$0x0] =	wrdreg $0x60  }
0xae: {  	[dreg:$0x2] =	wrdreg s24  }
0xaf: {  	[dreg:$0x3] =	wrdreg s2  }
0xb0: {  	[dreg:$0x4] =	wrdreg $0x9  }
0xb1: {  	_ =	task.clear_ibuf [dreg:s7], $0x5FFFF;
	_ =	strace $0x9000004C  }
0xb2: {  	s29 =	simm.s32 $0x9;
	_ =	strace $0x8000004E  }
0xb3: {  	_ =	swait.ge [sflag:s29], $0x1  }
0xb4: {  	[sflag:s29] =	ssyncadd.s32 $0xFFFFFFFF  }
0xb5: {  	_ =	strace $0x9000004E  }
0xb6: {  	_ =	sfence  }
0xb7: {  	s30 =	sld [smem:$0x0];
	_ =	sdelay $0x2  }
0xb8: {  	s31 =	sshll.u32 s1, $0xD;
	s1 =	sshrl.u32 s1, $0x2  }
0xb9: {  	s3 =	sand.u32 $0x4000, s31;
	s1 =	sadd.s32 s1, s30  }
0xba: {  	s0 =	sor.u32 s3, s0;
	s1 =	sshll.u32 s1, $0x11  }
0xbb: {  	s0 =	sor.u32 s1, s0  }
0xbc: {  	s0 =	sadd.s32 $0x8F2B, s0  }
0xbd: {  	[sflag:s0] =	ssyncadd.remote.s32 $0x1  }
0xbe: {  	_ =	sfence.sel $0xFFFF  }
0xbf: {  	[dreg:$0x0] =	wrdreg $0xFFFFFFFF;
	(pc) =	sbr.abs _section_cstart, $3  }
0xc0: {  	[dreg:$0x1] =	wrdreg $0xFFFFFFFF  }
0xc1: {  	_ =	task.clear_ibuf [dreg:s7], $0x2FFFF;
	_ =	strace $0x9FFFFFFF  }
0xc2: {  	(tm) =	ssettm $0x7FFFFFFF  }
0xc3: {  	_ =	shalt  }
tec
execute0_lowered:
.L_overlay_start_1:
0x0: {  	(tag) =	ssettag $0x1  }
0x1: {  	s5 =	rddreg [dreg:$0x0]  }
0x2: {  	s6 =	rddreg [dreg:$0x1];
	s2 =	srdreg.scid  }
0x3: {  	s0 =	rddreg [dreg:$0x2];
	s1 =	stileid.u32;
	s10 =	simm.s32 $0x880  }
0x4: {  	s11 =	simm.s32 $0xC80;
	s12 =	simm.s32 $0x1480;
	s13 =	simm.s32 $0x1880  }
0x5: {  	s14 =	simm.s32 $0x2080;
	s15 =	simm.s32 $0x2480;
	s16 =	simm.s32 $0x2C80  }
0x6: {  	s17 =	simm.s32 $0x3080;
	s18 =	simm.s32 $0x3880;
	s19 =	simm.s32 $0x3C80  }
0x7: {  	s20 =	simm.s32 $0x4480;
	s21 =	simm.s32 $0x4880;
	s22 =	simm.s32 $0x5080  }
0x8: {  	s23 =	simm.s32 $0x5480;
	s24 =	simm.s32 $0x5C80;
	s25 =	simm.s32 $0x1  }
0x9: {  	s3 =	sand.u32 $0x1, s2;
	s2 =	simm.s32 $0x0;
	s4 =	sshll.u32 s1, $0x4  }
0xa: {  	s7 =	sshll.u32 s3, $0x3;
	[smem:$0x7FF] =	sst s2;
	s8 =	ssub.s32 $0x2, s3  }
0xb: {  	s3 =	sadd.s32 $0x200, s5;
	s4 =	sor.u32 s7, s4;
	s31 =	sshrl.u32 s8, $0x1  }
0xc: {  	v2 =	vlaneseq.u32;
	_ =	strace $0x8000004D;
	s9 =	smul.u32 $0x180, s4;
	s7 =	ssub.s32 s8, s31  }
0xd: {  	vm0 =	vmmov $0xffff;
	vm1 =	vmmov $0xff;
	v1 =	vshrl.u32 v2, $0x3;
	s4 =	sadd.s32 s5, s4;
	s5 =	sadd.s32 $0x300, s5;
	s8 =	simm.s32 $0x2  }
0xe: {  	v0 =	vand.u32 $0x7, v2;
	v2 =	vor.u32 $0x8, v2;
	v1 =	vmul.u32 $0x8, v1;
	s7 =	smax.u32 s7, $0x1;
	s6 =	sadd.s32 s6, s9;
	s9 =	simm.s32 $0x80  }
.LBB2_1:
0xf: {  	[tilespmem:s2], [sflag:$0x2] =	stream.linear.gather [hbm4b:s4+s2], $0x40, $0x38;
	[tilespmem:$0x6080] =	vst v63  }
0x10: {  	_ =	swait.ge [sflag:s8], $0x40  }
0x11: {  	[sflag:s8] =	ssyncset.done $0x0  }
0x12: {  	[sflag:s8] =	ssyncadd.s32 $0xFFFFFFC0  }
0x13: {  	v3 =	vld [tilespmem:$0x0];
	_ =	sdelay $0x4  }
0x14: {  	v4 =	vshrl.u32 v3, $0x3  }
0x15: {  	v4 =	vmul.u32 $0x18, v4  }
0x16: {  	v3 =	vand.u32 $0x7, v3  }
0x17: {  	v3 =	vor.u32 v3, v4  }
0x18: {  	v4 =	vperm.xlane v3, v0;
	_ =	sdelay $0x1  }
0x19: {  	v4 =	vadd.s32 v1, v4;
	_ =	sdelay $0x1  }
0x1a: {  	v3 =	vperm.xlane v3, v2;
	_ =	sdelay $0x1  }
0x1b: {  	v3 =	vadd.s32 v1, v3  }
0x1c: {  	[tilespmem:s9], [sflag:$0x1] =	stream.indirect_vreg.gather [hbm4b:s3+s2], $0x80, v4, vm0, $0xb8;
	[tilespmem:$0x6080] =	vst v63  }
0x1d: {  	_ = 	snop  }
0x1e: {  	[tilespmem:s10], [sflag:$0x1] =	stream.indirect_vreg.gather [hbm4b:s5+s2], $0x80, v4, vm1, $0xb8;
	[tilespmem:$0x6080] =	vst v63  }
0x1f: {  	_ = 	snop  }
0x20: {  	[tilespmem:s11], [sflag:$0x1] =	stream.indirect_vreg.gather [hbm4b:s3+s2], $0x80, v3, vm0, $0xb8;
	[tilespmem:$0x6080] =	vst v63  }
0x21: {  	_ = 	snop  }
0x22: {  	[tilespmem:s12], [sflag:$0x1] =	stream.indirect_vreg.gather [hbm4b:s5+s2], $0x80, v3, vm1, $0xb8;
	[tilespmem:$0x6080] =	vst v63  }
0x23: {  	v3 =	vld [tilespmem:$0x10];
	_ =	sdelay $0x4  }
0x24: {  	v61 =	vshrl.u32 v3, $0x3  }
0x25: {  	v4 =	vmul.u32 $0x18, v61  }
0x26: {  	v3 =	vand.u32 $0x7, v3  }
0x27: {  	v3 =	vor.u32 v3, v4  }
0x28: {  	v4 =	vperm.xlane v3, v0;
	_ =	sdelay $0x1  }
0x29: {  	v4 =	vadd.s32 v1, v4;
	_ =	sdelay $0x1  }
0x2a: {  	v3 =	vperm.xlane v3, v2;
	_ =	sdelay $0x1  }
0x2b: {  	v3 =	vadd.s32 v1, v3  }
0x2c: {  	[tilespmem:s13], [sflag:$0x1] =	stream.indirect_vreg.gather [hbm4b:s3+s2], $0x80, v4, vm0, $0xb8;
	[tilespmem:$0x6080] =	vst v63  }
0x2d: {  	_ = 	snop  }
0x2e: {  	[tilespmem:s14], [sflag:$0x1] =	stream.indirect_vreg.gather [hbm4b:s5+s2], $0x80, v4, vm1, $0xb8;
	[tilespmem:$0x6080] =	vst v63  }
0x2f: {  	_ = 	snop  }
0x30: {  	[tilespmem:s15], [sflag:$0x1] =	stream.indirect_vreg.gather [hbm4b:s3+s2], $0x80, v3, vm0, $0xb8;
	[tilespmem:$0x6080] =	vst v63  }
0x31: {  	_ = 	snop  }
0x32: {  	[tilespmem:s16], [sflag:$0x1] =	stream.indirect_vreg.gather [hbm4b:s5+s2], $0x80, v3, vm1, $0xb8;
	[tilespmem:$0x6080] =	vst v63  }
0x33: {  	v3 =	vld [tilespmem:$0x20];
	_ =	sdelay $0x4  }
0x34: {  	v62 =	vshrl.u32 v3, $0x3  }
0x35: {  	v4 =	vmul.u32 $0x18, v62  }
0x36: {  	v3 =	vand.u32 $0x7, v3  }
0x37: {  	v3 =	vor.u32 v3, v4  }
0x38: {  	v4 =	vperm.xlane v3, v0;
	_ =	sdelay $0x1  }
0x39: {  	v4 =	vadd.s32 v1, v4;
	_ =	sdelay $0x1  }
0x3a: {  	v3 =	vperm.xlane v3, v2;
	_ =	sdelay $0x1  }
0x3b: {  	v3 =	vadd.s32 v1, v3  }
0x3c: {  	[tilespmem:s17], [sflag:$0x1] =	stream.indirect_vreg.gather [hbm4b:s3+s2], $0x80, v4, vm0, $0xb8;
	[tilespmem:$0x6080] =	vst v63  }
0x3d: {  	_ = 	snop  }
0x3e: {  	[tilespmem:s18], [sflag:$0x1] =	stream.indirect_vreg.gather [hbm4b:s5+s2], $0x80, v4, vm1, $0xb8;
	[tilespmem:$0x6080] =	vst v63  }
0x3f: {  	_ = 	snop  }
0x40: {  	[tilespmem:s19], [sflag:$0x1] =	stream.indirect_vreg.gather [hbm4b:s3+s2], $0x80, v3, vm0, $0xb8;
	[tilespmem:$0x6080] =	vst v63  }
0x41: {  	_ = 	snop  }
0x42: {  	[tilespmem:s20], [sflag:$0x1] =	stream.indirect_vreg.gather [hbm4b:s5+s2], $0x80, v3, vm1, $0xb8;
	[tilespmem:$0x6080] =	vst v63  }
0x43: {  	v3 =	vld [tilespmem:$0x30];
	_ =	sdelay $0x4  }
0x44: {  	v63 =	vshrl.u32 v3, $0x3  }
0x45: {  	v4 =	vmul.u32 $0x18, v63  }
0x46: {  	v3 =	vand.u32 $0x7, v3  }
0x47: {  	v3 =	vor.u32 v3, v4  }
0x48: {  	v4 =	vperm.xlane v3, v0;
	_ =	sdelay $0x1  }
0x49: {  	v4 =	vadd.s32 v1, v4;
	_ =	sdelay $0x1  }
0x4a: {  	v3 =	vperm.xlane v3, v2;
	_ =	sdelay $0x1  }
0x4b: {  	v3 =	vadd.s32 v1, v3  }
0x4c: {  	[tilespmem:s21], [sflag:$0x1] =	stream.indirect_vreg.gather [hbm4b:s3+s2], $0x80, v4, vm0, $0xb8;
	[tilespmem:$0x6080] =	vst v63  }
0x4d: {  	_ = 	snop  }
0x4e: {  	[tilespmem:s22], [sflag:$0x1] =	stream.indirect_vreg.gather [hbm4b:s5+s2], $0x80, v4, vm1, $0xb8;
	[tilespmem:$0x6080] =	vst v63  }
0x4f: {  	_ = 	snop  }
0x50: {  	[tilespmem:s23], [sflag:$0x1] =	stream.indirect_vreg.gather [hbm4b:s3+s2], $0x80, v3, vm0, $0xb8;
	[tilespmem:$0x6080] =	vst v63  }
0x51: {  	_ = 	snop  }
0x52: {  	[tilespmem:s24], [sflag:$0x1] =	stream.indirect_vreg.gather [hbm4b:s5+s2], $0x80, v3, vm1, $0xb8;
	[tilespmem:$0x6080] =	vst v63  }
0x53: {  	_ =	swait.ge [sflag:s25], $0x6000  }
0x54: {  	p0 =	sne.s32 s7, $0x1;
	[sflag:s25] =	ssyncset.done $0x0  }
.Ltmp0:
0x55: {  	[sflag:s25] =	ssyncadd.s32 $0xFFFFA000;
	(pc) =	sbr.rel @p0 .LBB2_1-.Ltmp0, $4  }
0x56: {  	[hbm4b:s6+s2] =	stream.linear.scatter [tilespmem:s9], [sflag:$0x2], $0x6000, $0x38;
	[tilespmem:$0x6080] =	vst v63  }
0x57: {  	_ =	swait.ge [sflag:s8], $0x6000  }
0x58: {  	[sflag:s8] =	ssyncset.done $0x0  }
0x59: {  	s7 =	sadd.s32 $0xFFFFFFFF, s7;
	[sflag:s8] =	ssyncadd.s32 $0xFFFFA000  }
0x5a: {  	_ =	sfence.sel $0x180000  }
0x5b: {  	[bflag:$0x0] =	sbarrier.arrive $0xFFFF  }
0x5c: {  	p0 =	sne.s32 s1, $0x0;
	_ =	strace $0x9000004D  }
0x5d: {  	s0 =	sadd.s32 @!p0 $0x100000, s0;
	[bflag:$0x2] =	sbarrier.arrive $0xFFFF  }
0x5e: {  	[sflag:s0] =	ssyncadd.tile.s32 @!p0 $0x1;
	_ =	shalt  }
.Lfunc_end2:
_tile_overlayer_lowered:
.L_overlay_start_2:
0x5f: {  	(tag) =	ssettag $0x2  }
0x60: {  	s0 =	rddreg [dreg:$0x0];
	s2 =	stileid.u32  }
0x61: {  	s1 =	rddreg [dreg:$0x1];
	p0 =	sne.s32 s2, $0x0  }
0x62: {  	s3 =	rddreg [dreg:$0x2];
	[bflag:$0x3] =	sbarrier.arrive $0xFFFF;
	s2 =	simm.s32 @!p0 $0x1C02  }
0x63: {  	[timem:s3], [sflag:s2] =	dma.local @!p0 [hbm:s0], s1  }
0x64: {  	s0 =	simm.s32 @!p0 $0x2  }
0x65: {  	_ =	swait.ge @!p0 [sflag:s0], s1  }
0x66: {  	s1 =	ssub.s32 @!p0 $0x0, s1;
	[sflag:s0] =	ssyncset.done @!p0 $0x0  }
0x67: {  	[sflag:s0] =	ssyncadd.s32 @!p0 s1  }
0x68: {  	[bflag:$0x3] =	sbarrier.arrive $0xFFFF  }
0x69: {  	_ =	shalt  }

// kernel: kernel.7.cloned.1.call-start
scs
__scs_entry_jumppad:
0x0: {  	(pc) =	sbr.rel $0x88, $3  }
0x1: {  	(tag) =	ssettag $0x0;
	lr =	simm.s32 $0x1  }
0x2: {  	[smem:$0x3F9C] =	sst lr;
	_ =	strace $0xD0000000  }
0x3: {  	_ = 	snop  }
0x4: {  	_ = 	snop  }
0x5: {  	_ = 	snop  }
0x6: {  	_ = 	snop  }
0x7: {  	_ = 	snop  }
__scs_overlays_trampoline_lowered:
0x8: {  	[smem:$0x3FAB] =	sst s0  }
0x9: {  	[smem:$0x3FAC] =	sst s1  }
0xa: {  	[smem:$0x3FAD] =	sst s2  }
0xb: {  	[smem:$0x3FAE] =	sst s3  }
0xc: {  	[smem:$0x3FAF] =	sst s4  }
0xd: {  	[smem:$0x3FB0] =	sst s5  }
0xe: {  	[smem:$0x3FB1] =	sst s6  }
0xf: {  	[smem:$0x3FB2] =	sst s7  }
0x10: {  	[smem:$0x3FB3] =	sst s8  }
0x11: {  	[smem:$0x3FB4] =	sst s9;
	s0 =	simm.s32 @!p0 $0x0  }
0x12: {  	s1 =	sld [smem:$0x3F9A];
	s0 =	simm.s32 @p0 $0x1  }
0x13: {  	[smem:$0x3FB5] =	sst s0;
	s0 =	simm.s32 @!p1 $0x0  }
0x14: {  	s2 =	sld [smem:$0x3F99];
	s0 =	simm.s32 @p1 $0x1  }
0x15: {  	[smem:$0x3FB6] =	sst s0;
	s0 =	simm.s32 @!p2 $0x0  }
0x16: {  	s3 =	sld [smem:$0x3FDB];
	s0 =	simm.s32 @p2 $0x1  }
0x17: {  	s4 =	simm.s32 $0x1BF5;
	[smem:$0x3FB8] =	sst s0  }
0x18: {  	s0 =	sld [smem:$0x3F9B];
	_ =	swait.ge [sflag:s4], $0x0  }
0x19: {  	s7 =	sld [smem:$0x3F9C]  }
0x1a: {  	s8 =	sadd.s32 $0xFFFFE003, lr  }
0x1b: {  	s9 =	sadd.s32 $0xFFFFFEF7, lr;
	s5 =	simm.s32 $0xFFFFFFFF;
	p2 =	slt.u32 s8, $0xFFFFF086  }
0x1c: {  	p1 =	slt.u32 s9, $0xF7A;
	s5 =	simm.s32 @!p2 $0x0  }
0x1d: {  	s5 =	simm.s32 @p1 $0x1;
	p0 =	seq.s32 s7, s2  }
0x1e: {  	s7 =	smul.u32 @!p0 $0xF7A, s2;
	p2 =	seq.s32 @!p0 s5, $0x0  }
0x1f: {  	s9 =	smul.u32 $0xF7A, s1;
	s8 =	simm.s32 @!p0 $0x1BF5;
	p2 =	por !p2, p0  }
0x20: {  	[sflag:s8] =	ssyncset.s32 @!p0 $0xFFFFF086;
	s6 =	sadd.s32 @!p0 s3, s7;
	s7 =	simm.s32 @!p0 $0x108  }
0x21: {  	s3 =	sadd.s32 s3, s9;
	s6 =	sadd.s32 @!p0 $0x88, s6;
	s7 =	simm.s32 @p2 $0x1082  }
0x22: {  	[simem:s7], [sflag:s8] =	dma.local @!p0 [hbm:s6], $0xF7A  }
0x23: {  	s9 =	sor.u32 $0xD0000000, s2;
	s6 =	simm.s32 $0x108;
	_ =	swait.ge @!p0 [sflag:s8], $0x0  }
0x24: {  	s3 =	sadd.s32 $0x88, s3;
	s6 =	simm.s32 @!p1 $0x1082;
	[sflag:s4] =	ssyncset.s32 $0xFFFFF086  }
0x25: {  	[simem:s6], [sflag:s4] =	dma.local [hbm:s3], $0xF7A  }
0x26: {  	[smem:$0x3F9C] =	sst s1;
	(tag) =	ssettag s2;
	_ =	strace s9  }
0x27: {  	s1 =	sld [smem:$0x3FAC]  }
0x28: {  	s2 =	sld [smem:$0x3FAD]  }
0x29: {  	s4 =	sld [smem:$0x3FAF]  }
0x2a: {  	p0 =	seq.s32 s5, $0x0;
	s5 =	sld [smem:$0x3FB0]  }
0x2b: {  	s6 =	sld [smem:$0x3FB1]  }
0x2c: {  	s7 =	sld [smem:$0x3FB2]  }
0x2d: {  	s3 =	simm.s32 $0x108;
	s8 =	sld [smem:$0x3FB3]  }
0x2e: {  	s3 =	simm.s32 @!p0 $0x1082;
	s9 =	sld [smem:$0x3FB4]  }
0x2f: {  	lr =	sadd.s32 s0, s3;
	s0 =	sld [smem:$0x3FAB]  }
0x30: {  	s3 =	sld [smem:$0x3FAE]  }
0x31: {  	[smem:$0x3FB7] =	sst s10  }
0x32: {  	s10 =	sld [smem:$0x3FB5];
	_ =	sdelay $0x3  }
0x33: {  	p0 =	seq.s32 s10, $0x1;
	s10 =	sld [smem:$0x3FB7];
	_ =	sdelay $0x3  }
0x34: {  	[smem:$0x3FB7] =	sst s10  }
0x35: {  	s10 =	sld [smem:$0x3FB6];
	_ =	sdelay $0x3  }
0x36: {  	p1 =	seq.s32 s10, $0x1;
	s10 =	sld [smem:$0x3FB7];
	_ =	sdelay $0x3  }
0x37: {  	[smem:$0x3FB7] =	sst s10  }
0x38: {  	s10 =	sld [smem:$0x3FB8]  }
0x39: {  	_ = 	snop;
	(pc) =	sbr.ind lr, $3  }
0x3a: {  	_ = 	snop  }
0x3b: {  	_ = 	snop  }
0x3c: {  	p2 =	seq.s32 s10, $0x1;
	s10 =	sld [smem:$0x3FB7]  }
0x3d: {  	_ =	shalt  }
0x3e: {  	_ =	shalt  }
0x3f: {  	_ =	shalt  }
0x40: {  	_ =	shalt  }
0x41: {  	_ =	shalt  }
0x42: {  	_ =	shalt  }
0x43: {  	_ =	shalt  }
0x44: {  	_ =	shalt  }
0x45: {  	_ =	shalt  }
0x46: {  	_ =	shalt  }
0x47: {  	_ =	shalt  }
0x48: {  	_ =	shalt  }
0x49: {  	_ =	shalt  }
0x4a: {  	_ =	shalt  }
0x4b: {  	_ =	shalt  }
0x4c: {  	_ =	shalt  }
0x4d: {  	_ =	shalt  }
0x4e: {  	_ =	shalt  }
0x4f: {  	_ =	shalt  }
0x50: {  	_ =	shalt  }
0x51: {  	_ =	shalt  }
0x52: {  	_ =	shalt  }
0x53: {  	_ =	shalt  }
0x54: {  	_ =	shalt  }
0x55: {  	_ =	shalt  }
0x56: {  	_ =	shalt  }
0x57: {  	_ =	shalt  }
0x58: {  	_ =	shalt  }
0x59: {  	_ =	shalt  }
0x5a: {  	_ =	shalt  }
0x5b: {  	_ =	shalt  }
0x5c: {  	_ =	shalt  }
0x5d: {  	_ =	shalt  }
0x5e: {  	_ =	shalt  }
0x5f: {  	_ =	shalt  }
0x60: {  	_ =	shalt  }
0x61: {  	_ =	shalt  }
0x62: {  	_ =	shalt  }
0x63: {  	_ =	shalt  }
0x64: {  	_ =	shalt  }
0x65: {  	_ =	shalt  }
0x66: {  	_ =	shalt  }
0x67: {  	_ =	shalt  }
0x68: {  	_ =	shalt  }
0x69: {  	_ =	shalt  }
0x6a: {  	_ =	shalt  }
0x6b: {  	_ =	shalt  }
0x6c: {  	_ =	shalt  }
0x6d: {  	_ =	shalt  }
0x6e: {  	_ =	shalt  }
0x6f: {  	_ =	shalt  }
0x70: {  	_ =	shalt  }
0x71: {  	_ =	shalt  }
0x72: {  	_ =	shalt  }
0x73: {  	_ =	shalt  }
0x74: {  	_ =	shalt  }
0x75: {  	_ =	shalt  }
0x76: {  	_ =	shalt  }
0x77: {  	_ =	shalt  }
0x78: {  	_ =	shalt  }
0x79: {  	_ =	shalt  }
0x7a: {  	_ =	shalt  }
0x7b: {  	_ =	shalt  }
0x7c: {  	_ =	shalt  }
0x7d: {  	_ =	shalt  }
0x7e: {  	_ =	shalt  }
0x7f: {  	_ =	shalt  }
0x80: {  	_ =	shalt  }
0x81: {  	_ =	shalt  }
0x82: {  	_ =	shalt  }
0x83: {  	_ =	shalt  }
0x84: {  	_ =	shalt  }
0x85: {  	_ =	shalt  }
0x86: {  	_ =	shalt  }
0x87: {  	_ =	shalt  }
.Lfunc_end0:
.L_simem_size_0:
called_computation.1_lowered:
.L_overlay_start_0:
0x88: {  	s2 =	sld [smem:$0x3FD9]  }
0x89: {  	s3 =	sld [smem:$0x3FFE];
	_ =	sdelay $0x1  }
0x8a: {  	s1 =	srdreg.scid  }
0x8b: {  	s0 =	sand.u32 $0x1, s1  }
0x8c: {  	s17 =	sshll.u32 s0, $0xA;
	s2 =	sadd.s32 s3, s2  }
0x8d: {  	s2 =	sadd.s32 s2, s17  }
0x8e: {  	[smem:$0x3FC3] =	sst s2  }
0x8f: {  	_ = 	snop  }
0x90: {  	s2 =	sld [smem:$0x3FD0];
	(tm) =	ssettm $0x1  }
0x91: {  	s18 =	sld [smem:$0x3FFB];
	_ =	sdelay $0x3  }
0x92: {  	_ =	strace s18  }
0x93: {  	s3 =	sld [smem:$0x3FFC];
	_ =	sdelay $0x3  }
0x94: {  	_ =	strace s3  }
0x95: {  	s3 =	sld [smem:$0x3FFD];
	_ =	sdelay $0x3  }
0x96: {  	_ =	strace s3  }
0x97: {  	_ =	strace $0x8FFFFFFF  }
0x98: {  	s19 =	sld [smem:$0x3FDB];
	_ =	sdelay $0x1  }
0x99: {  	s4 =	simm.s32 $_scs_section_size  }
0x9a: {  	s5 =	simm.s32 $_size__tile_overlayer_lowered;
	s6 =	simm.s32 $_tile_overlayer_lowered  }
0x9b: {  	s22 =	simm.s32 $0x1BFF;
	s21 =	sshll.u32 s6, $0x1;
	s3 =	sadd.s32 s4, s19  }
0x9c: {  	s7 =	simm.s32 $0x0;
	s20 =	sshll.u32 s5, $0x1;
	s5 =	sadd.s32 s21, s3  }
0x9d: {  	[timem:s7], [sflag:s22] =	dma.local [hbm:s5], s20  }
0x9e: {  	_ =	swait.ge [sflag:s22], s20  }
0x9f: {  	s4 =	ssub.s32 $0x0, s20;
	[sflag:s22] =	ssyncset.done $0x0  }
0xa0: {  	[sflag:s22] =	ssyncadd.s32 s4;
	_ =	sdelay $0x1  }
0xa1: {  	s23 =	simm.s32 $0x1B8B  }
0xa2: {  	_ =	swait.ge [sflag:s23], $0x1  }
0xa3: {  	[sflag:s23] =	ssyncset.done $0x0  }
0xa4: {  	s25 =	simm.s32 $0x1B8E;
	s24 =	sld [smem:$0x3FFE];
	[sflag:s23] =	ssyncadd.s32 $0xFFFFFFFF  }
0xa5: {  	s26 =	simm.s32 $execute0_lowered;
	[smem:$0x3FD2] =	sst s25  }
0xa6: {  	s5 =	sshll.u32 s26, $0x1;
	_ =	strace $0x80000049;
	[dreg:$0x1] =	wrdreg $0xFFFFFFFF  }
0xa7: {  	s28 =	simm.s32 $_size_execute0_lowered;
	s3 =	sadd.s32 s3, s5;
	[dreg:$0x0] =	wrdreg $0x0  }
0xa8: {  	s5 =	sshll.u32 s28, $0x1;
	[dreg:$0x2] =	wrdreg s3  }
0xa9: {  	[dreg:$0x3] =	wrdreg s5  }
0xaa: {  	[dreg:$0x4] =	wrdreg $0xC0  }
0xab: {  	_ =	task [dreg:s7], $0x5FFFF  }
0xac: {  	[dreg:$0x1] =	wrdreg $0xFFFFFFFF  }
0xad: {  	[dreg:$0x0] =	wrdreg $0x60  }
0xae: {  	[dreg:$0x2] =	wrdreg s2  }
0xaf: {  	[dreg:$0x3] =	wrdreg s24  }
0xb0: {  	[dreg:$0x4] =	wrdreg $0x9  }
0xb1: {  	_ =	task.clear_ibuf [dreg:s7], $0x5FFFF;
	_ =	strace $0x90000049  }
0xb2: {  	s29 =	simm.s32 $0x9;
	_ =	strace $0x8000004B  }
0xb3: {  	_ =	swait.ge [sflag:s29], $0x1  }
0xb4: {  	[sflag:s29] =	ssyncadd.s32 $0xFFFFFFFF  }
0xb5: {  	_ =	strace $0x9000004B  }
0xb6: {  	_ =	sfence  }
0xb7: {  	s30 =	sld [smem:$0x0];
	_ =	sdelay $0x2  }
0xb8: {  	s31 =	sshll.u32 s1, $0xD;
	s1 =	sshrl.u32 s1, $0x2  }
0xb9: {  	s3 =	sand.u32 $0x4000, s31;
	s1 =	sadd.s32 s1, s30  }
0xba: {  	s0 =	sor.u32 s3, s0;
	s1 =	sshll.u32 s1, $0x11  }
0xbb: {  	s0 =	sor.u32 s1, s0  }
0xbc: {  	s0 =	sadd.s32 $0x8F2B, s0  }
0xbd: {  	[sflag:s0] =	ssyncadd.remote.s32 $0x1  }
0xbe: {  	_ =	sfence.sel $0xFFFF  }
0xbf: {  	[dreg:$0x0] =	wrdreg $0xFFFFFFFF;
	(pc) =	sbr.abs _section_cstart, $3  }
0xc0: {  	[dreg:$0x1] =	wrdreg $0xFFFFFFFF  }
0xc1: {  	_ =	task.clear_ibuf [dreg:s7], $0x2FFFF;
	_ =	strace $0x9FFFFFFF  }
0xc2: {  	(tm) =	ssettm $0x7FFFFFFF  }
0xc3: {  	_ =	shalt  }
tec
execute0_lowered:
.L_overlay_start_1:
0x0: {  	(tag) =	ssettag $0x1  }
0x1: {  	s1 =	srdreg.scid  }
0x2: {  	s4 =	rddreg [dreg:$0x0];
	s0 =	stileid.u32  }
0x3: {  	s6 =	rddreg [dreg:$0x1];
	s2 =	simm.s32 $0x0;
	s10 =	simm.s32 $0x880  }
0x4: {  	s11 =	simm.s32 $0xC80;
	s12 =	simm.s32 $0x1480;
	s13 =	simm.s32 $0x1880  }
0x5: {  	s14 =	simm.s32 $0x2080;
	s15 =	simm.s32 $0x2480;
	s16 =	simm.s32 $0x2C80  }
0x6: {  	s17 =	simm.s32 $0x3080;
	s18 =	simm.s32 $0x3880;
	s19 =	simm.s32 $0x3C80  }
0x7: {  	s20 =	simm.s32 $0x4480;
	s21 =	simm.s32 $0x4880;
	s22 =	simm.s32 $0x5080  }
0x8: {  	s23 =	simm.s32 $0x5480;
	s24 =	simm.s32 $0x5C80;
	s25 =	simm.s32 $0x1  }
0x9: {  	s3 =	sand.u32 $0x1, s1;
	s5 =	sshll.u32 s0, $0x4;
	s1 =	rddreg [dreg:$0x2]  }
0xa: {  	[smem:$0x7FF] =	sst s2;
	s7 =	sshll.u32 s3, $0x3;
	s31 =	ssub.s32 $0x2, s3  }
0xb: {  	_ =	strace $0x8000004A;
	s5 =	sor.u32 s7, s5;
	s9 =	sshrl.u32 s31, $0x1  }
0xc: {  	v2 =	vlaneseq.u32;
	s3 =	sadd.s32 $0x200, s6;
	s8 =	smul.u32 $0x180, s5;
	s7 =	ssub.s32 s31, s9  }
0xd: {  	vm0 =	vmmov $0xffff;
	vm1 =	vmmov $0xff;
	v1 =	vshrl.u32 v2, $0x3;
	s5 =	sadd.s32 s6, s5;
	s6 =	sadd.s32 $0x300, s6;
	s9 =	simm.s32 $0x2  }
0xe: {  	v0 =	vand.u32 $0x7, v2;
	v2 =	vor.u32 $0x8, v2;
	v1 =	vmul.u32 $0x8, v1;
	s7 =	smax.u32 s7, $0x1;
	s4 =	sadd.s32 s4, s8;
	s8 =	simm.s32 $0x80  }
.LBB2_1:
0xf: {  	[tilespmem:s8], [sflag:$0x2] =	stream.linear.gather [hbm4b:s4+s2], $0x6000, $0x38;
	[tilespmem:$0x6080] =	vst v63  }
0x10: {  	_ =	swait.ge [sflag:s9], $0x6000  }
0x11: {  	[sflag:s9] =	ssyncset.done $0x0  }
0x12: {  	[sflag:s9] =	ssyncadd.s32 $0xFFFFA000  }
0x13: {  	[tilespmem:s2], [sflag:$0x2] =	stream.linear.gather [hbm4b:s5+s2], $0x40, $0x38;
	[tilespmem:$0x6080] =	vst v63  }
0x14: {  	_ =	swait.ge [sflag:s9], $0x40  }
0x15: {  	[sflag:s9] =	ssyncset.done $0x0  }
0x16: {  	[sflag:s9] =	ssyncadd.s32 $0xFFFFFFC0  }
0x17: {  	v3 =	vld [tilespmem:$0x0];
	_ =	sdelay $0x4  }
0x18: {  	v4 =	vshrl.u32 v3, $0x3  }
0x19: {  	v4 =	vmul.u32 $0x18, v4  }
0x1a: {  	v3 =	vand.u32 $0x7, v3  }
0x1b: {  	v3 =	vor.u32 v3, v4  }
0x1c: {  	v4 =	vperm.xlane v3, v0;
	_ =	sdelay $0x1  }
0x1d: {  	v4 =	vadd.s32 v1, v4;
	_ =	sdelay $0x1  }
0x1e: {  	v3 =	vperm.xlane v3, v2;
	_ =	sdelay $0x1  }
0x1f: {  	v3 =	vadd.s32 v1, v3  }
0x20: {  	[hbm4b:s3+s2] =	stream.indirect_vreg.scatter [tilespmem:s8], [sflag:$0x1], $0x80, v4, vm0, $0xb8;
	[tilespmem:$0x6080] =	vst v63  }
0x21: {  	_ = 	snop  }
0x22: {  	[hbm4b:s6+s2] =	stream.indirect_vreg.scatter [tilespmem:s10], [sflag:$0x1], $0x80, v4, vm1, $0xb8;
	[tilespmem:$0x6080] =	vst v63  }
0x23: {  	_ = 	snop  }
0x24: {  	[hbm4b:s3+s2] =	stream.indirect_vreg.scatter [tilespmem:s11], [sflag:$0x1], $0x80, v3, vm0, $0xb8;
	[tilespmem:$0x6080] =	vst v63  }
0x25: {  	_ = 	snop  }
0x26: {  	[hbm4b:s6+s2] =	stream.indirect_vreg.scatter [tilespmem:s12], [sflag:$0x1], $0x80, v3, vm1, $0xb8;
	[tilespmem:$0x6080] =	vst v63  }
0x27: {  	v3 =	vld [tilespmem:$0x10];
	_ =	sdelay $0x4  }
0x28: {  	v61 =	vshrl.u32 v3, $0x3  }
0x29: {  	v4 =	vmul.u32 $0x18, v61  }
0x2a: {  	v3 =	vand.u32 $0x7, v3  }
0x2b: {  	v3 =	vor.u32 v3, v4  }
0x2c: {  	v4 =	vperm.xlane v3, v0;
	_ =	sdelay $0x1  }
0x2d: {  	v4 =	vadd.s32 v1, v4;
	_ =	sdelay $0x1  }
0x2e: {  	v3 =	vperm.xlane v3, v2;
	_ =	sdelay $0x1  }
0x2f: {  	v3 =	vadd.s32 v1, v3  }
0x30: {  	[hbm4b:s3+s2] =	stream.indirect_vreg.scatter [tilespmem:s13], [sflag:$0x1], $0x80, v4, vm0, $0xb8;
	[tilespmem:$0x6080] =	vst v63  }
0x31: {  	_ = 	snop  }
0x32: {  	[hbm4b:s6+s2] =	stream.indirect_vreg.scatter [tilespmem:s14], [sflag:$0x1], $0x80, v4, vm1, $0xb8;
	[tilespmem:$0x6080] =	vst v63  }
0x33: {  	_ = 	snop  }
0x34: {  	[hbm4b:s3+s2] =	stream.indirect_vreg.scatter [tilespmem:s15], [sflag:$0x1], $0x80, v3, vm0, $0xb8;
	[tilespmem:$0x6080] =	vst v63  }
0x35: {  	_ = 	snop  }
0x36: {  	[hbm4b:s6+s2] =	stream.indirect_vreg.scatter [tilespmem:s16], [sflag:$0x1], $0x80, v3, vm1, $0xb8;
	[tilespmem:$0x6080] =	vst v63  }
0x37: {  	v3 =	vld [tilespmem:$0x20];
	_ =	sdelay $0x4  }
0x38: {  	v62 =	vshrl.u32 v3, $0x3  }
0x39: {  	v4 =	vmul.u32 $0x18, v62  }
0x3a: {  	v3 =	vand.u32 $0x7, v3  }
0x3b: {  	v3 =	vor.u32 v3, v4  }
0x3c: {  	v4 =	vperm.xlane v3, v0;
	_ =	sdelay $0x1  }
0x3d: {  	v4 =	vadd.s32 v1, v4;
	_ =	sdelay $0x1  }
0x3e: {  	v3 =	vperm.xlane v3, v2;
	_ =	sdelay $0x1  }
0x3f: {  	v3 =	vadd.s32 v1, v3  }
0x40: {  	[hbm4b:s3+s2] =	stream.indirect_vreg.scatter [tilespmem:s17], [sflag:$0x1], $0x80, v4, vm0, $0xb8;
	[tilespmem:$0x6080] =	vst v63  }
0x41: {  	_ = 	snop  }
0x42: {  	[hbm4b:s6+s2] =	stream.indirect_vreg.scatter [tilespmem:s18], [sflag:$0x1], $0x80, v4, vm1, $0xb8;
	[tilespmem:$0x6080] =	vst v63  }
0x43: {  	_ = 	snop  }
0x44: {  	[hbm4b:s3+s2] =	stream.indirect_vreg.scatter [tilespmem:s19], [sflag:$0x1], $0x80, v3, vm0, $0xb8;
	[tilespmem:$0x6080] =	vst v63  }
0x45: {  	_ = 	snop  }
0x46: {  	[hbm4b:s6+s2] =	stream.indirect_vreg.scatter [tilespmem:s20], [sflag:$0x1], $0x80, v3, vm1, $0xb8;
	[tilespmem:$0x6080] =	vst v63  }
0x47: {  	v3 =	vld [tilespmem:$0x30];
	_ =	sdelay $0x4  }
0x48: {  	v63 =	vshrl.u32 v3, $0x3  }
0x49: {  	v4 =	vmul.u32 $0x18, v63  }
0x4a: {  	v3 =	vand.u32 $0x7, v3  }
0x4b: {  	v3 =	vor.u32 v3, v4  }
0x4c: {  	v4 =	vperm.xlane v3, v0;
	_ =	sdelay $0x1  }
0x4d: {  	v4 =	vadd.s32 v1, v4;
	_ =	sdelay $0x1  }
0x4e: {  	v3 =	vperm.xlane v3, v2;
	_ =	sdelay $0x1  }
0x4f: {  	v3 =	vadd.s32 v1, v3  }
0x50: {  	[hbm4b:s3+s2] =	stream.indirect_vreg.scatter [tilespmem:s21], [sflag:$0x1], $0x80, v4, vm0, $0xb8;
	[tilespmem:$0x6080] =	vst v63  }
0x51: {  	_ = 	snop  }
0x52: {  	[hbm4b:s6+s2] =	stream.indirect_vreg.scatter [tilespmem:s22], [sflag:$0x1], $0x80, v4, vm1, $0xb8;
	[tilespmem:$0x6080] =	vst v63  }
0x53: {  	p0 =	sne.s32 s7, $0x1  }
0x54: {  	[hbm4b:s3+s2] =	stream.indirect_vreg.scatter [tilespmem:s23], [sflag:$0x1], $0x80, v3, vm0, $0xb8;
	[tilespmem:$0x6080] =	vst v63  }
.Ltmp0:
0x55: {  	_ = 	snop;
	(pc) =	sbr.rel @p0 .LBB2_1-.Ltmp0, $4  }
0x56: {  	[hbm4b:s6+s2] =	stream.indirect_vreg.scatter [tilespmem:s24], [sflag:$0x1], $0x80, v3, vm1, $0xb8;
	[tilespmem:$0x6080] =	vst v63  }
0x57: {  	_ =	swait.ge [sflag:s25], $0x6000  }
0x58: {  	[sflag:s25] =	ssyncset.done $0x0  }
0x59: {  	s7 =	sadd.s32 $0xFFFFFFFF, s7;
	[sflag:s25] =	ssyncadd.s32 $0xFFFFA000  }
0x5a: {  	_ =	sfence.sel $0x180000  }
0x5b: {  	[bflag:$0x0] =	sbarrier.arrive $0xFFFF  }
0x5c: {  	p0 =	sne.s32 s0, $0x0;
	_ =	strace $0x9000004A  }
0x5d: {  	s0 =	sadd.s32 @!p0 $0x100000, s1;
	[bflag:$0x2] =	sbarrier.arrive $0xFFFF  }
0x5e: {  	[sflag:s0] =	ssyncadd.tile.s32 @!p0 $0x1;
	_ =	shalt  }
.Lfunc_end2:
_tile_overlayer_lowered:
.L_overlay_start_2:
0x5f: {  	(tag) =	ssettag $0x2  }
0x60: {  	s0 =	rddreg [dreg:$0x0];
	s2 =	stileid.u32  }
0x61: {  	s1 =	rddreg [dreg:$0x1];
	p0 =	sne.s32 s2, $0x0  }
0x62: {  	s3 =	rddreg [dreg:$0x2];
	[bflag:$0x3] =	sbarrier.arrive $0xFFFF;
	s2 =	simm.s32 @!p0 $0x1C02  }
0x63: {  	[timem:s3], [sflag:s2] =	dma.local @!p0 [hbm:s0], s1  }
0x64: {  	s0 =	simm.s32 @!p0 $0x2  }
0x65: {  	_ =	swait.ge @!p0 [sflag:s0], s1  }
0x66: {  	s1 =	ssub.s32 @!p0 $0x0, s1;
	[sflag:s0] =	ssyncset.done @!p0 $0x0  }
0x67: {  	[sflag:s0] =	ssyncadd.s32 @!p0 s1  }
0x68: {  	[bflag:$0x3] =	sbarrier.arrive $0xFFFF  }
0x69: {  	_ =	shalt  }

</sc_bundles>
